<compile_context>
chip_gen: v7x
topology: tpu7x:2x2x1
jax: 0.10.2.dev20260603
libtpu: 0.0.44.dev20260713+nightly
codegen_flags: <defaults>
</compile_context>

<pallas_src>
import functools

import jax
import jax.numpy as jnp
from jax import lax
from jax.experimental import pallas as pl
from jax.experimental.pallas import tpu as pltpu
from jax.experimental.pallas import tpu_sc as plsc

VOCAB = 1000
EMBED = 128
UNITS = 512
B = 64
T = 128
GATES = 4 * UNITS
CHUNK = 16
NCHUNK = T // CHUNK
MB = CHUNK * B



def _make_gather(V, D, N):
    info = plsc.get_sparse_core_info()
    NW = info.num_cores * info.num_subcores
    n_per_w = N // NW
    mesh = plsc.VectorSubcoreMesh(core_axis_name="c", subcore_axis_name="s")

    @functools.partial(
        pl.kernel,
        mesh=mesh,
        out_type=jax.ShapeDtypeStruct((N, D), jnp.float32),
        scratch_types=[
            pltpu.VMEM((n_per_w,), jnp.int32),
            pltpu.VMEM((n_per_w, D), jnp.float32),
            pltpu.SemaphoreType.DMA,
        ],
    )
    def gk(table_hbm, idx_hbm, out_hbm, idx_v, rows_v, sem):
        wid = lax.axis_index("s") * info.num_cores + lax.axis_index("c")
        base = wid * n_per_w
        pltpu.sync_copy(idx_hbm.at[pl.ds(base, n_per_w)], idx_v)
        pltpu.async_copy(table_hbm.at[idx_v], rows_v, sem).wait()
        pltpu.sync_copy(rows_v, out_hbm.at[pl.ds(base, n_per_w)])

    return gk


@functools.lru_cache(maxsize=None)
def _gather_fn():
    return _make_gather(VOCAB, EMBED, B * T)



def _scan_body(x_ref, wk_ref, rk_ref, bias_ref, wd_ref, bd_ref, out_ref,
               h_ref, c_ref, hs_ref):
    cidx = pl.program_id(0)

    @pl.when(cidx == 0)
    def _():
        h_ref[...] = jnp.zeros_like(h_ref)
        c_ref[...] = jnp.zeros_like(c_ref)

    xz = jnp.dot(
        x_ref[...], wk_ref[...], preferred_element_type=jnp.float32
    ) + bias_ref[...]

    c = c_ref[...]
    h = h_ref[...]
    for s in range(CHUNK):
        z = xz[s * B : (s + 1) * B, :] + jnp.dot(
            h.astype(jnp.bfloat16), rk_ref[...],
            preferred_element_type=jnp.float32,
        )
        i = 0.5 * jnp.tanh(0.5 * z[:, :UNITS]) + 0.5
        f = 0.5 * jnp.tanh(0.5 * z[:, UNITS : 2 * UNITS]) + 0.5
        g = jnp.tanh(z[:, 2 * UNITS : 3 * UNITS])
        o = 0.5 * jnp.tanh(0.5 * z[:, 3 * UNITS :]) + 0.5
        c = f * c + i * g
        h = o * jnp.tanh(c)
        hs_ref[s * B : (s + 1) * B, :] = h.astype(jnp.bfloat16)
    h_ref[...] = h
    c_ref[...] = c

    logits = jnp.dot(
        hs_ref[...], wd_ref[...], preferred_element_type=jnp.float32
    ) + bd_ref[...]
    out_ref[...] = logits.reshape(CHUNK, B, VOCAB)


def _scan(x, kern, rec_kernel, bias, W_dense, b_dense):
    return pl.pallas_call(
        _scan_body,
        grid=(NCHUNK,),
        in_specs=[
            pl.BlockSpec((MB, EMBED), lambda c: (c, 0)),
            pl.BlockSpec((EMBED, GATES), lambda c: (0, 0)),
            pl.BlockSpec((UNITS, GATES), lambda c: (0, 0)),
            pl.BlockSpec((1, GATES), lambda c: (0, 0)),
            pl.BlockSpec((UNITS, VOCAB), lambda c: (0, 0)),
            pl.BlockSpec((1, VOCAB), lambda c: (0, 0)),
        ],
        out_specs=pl.BlockSpec((CHUNK, B, VOCAB), lambda c: (c, 0, 0)),
        out_shape=jax.ShapeDtypeStruct((T, B, VOCAB), jnp.float32),
        scratch_shapes=[
            pltpu.VMEM((B, UNITS), jnp.float32),
            pltpu.VMEM((B, UNITS), jnp.float32),
            pltpu.VMEM((MB, UNITS), jnp.bfloat16),
        ],
    )(
        x,
        kern,
        rec_kernel.astype(jnp.bfloat16),
        bias.reshape(1, GATES),
        W_dense.astype(jnp.bfloat16),
        b_dense.reshape(1, VOCAB),
    )


def kernel(inputs, W_emb, kernel, rec_kernel, bias, W_dense, b_dense):
    flat_idx = inputs.T.reshape(B * T)
    x = _gather_fn()(W_emb, flat_idx)
    logits_tbv = _scan(x, kernel, rec_kernel, bias, W_dense, b_dense)
    return jnp.swapaxes(logits_tbv, 0, 1)

# --- scband reference (transcript-rebuilt; emitter-appended) ---
"""Pipeline reference for scband-lstm-rnn-30064771072203 (READ-ONLY COPY).

The authoritative reference and input builder live on the scoring server;
editing this copy changes nothing except your own understanding.
"""

import jax, jax.numpy as jnp
import numpy as np

VOCAB = 1000
EMBED = 128
UNITS = 512
B = 64
T = 128


def setup_inputs(seed: int = 0) -> dict:
    key = jax.random.key(seed)
    ks = jax.random.split(key, 6)
    inputs = jax.random.randint(ks[0], (B, T), 0, VOCAB, dtype=jnp.int32)
    W_emb = jax.random.normal(ks[1], (VOCAB, EMBED), dtype=jnp.float32) * 0.05
    kernel = jax.random.normal(ks[2], (EMBED, 4 * UNITS), dtype=jnp.float32) * 0.05
    rec_kernel = jax.random.normal(ks[3], (UNITS, 4 * UNITS), dtype=jnp.float32) * 0.05
    # unit_forget_bias=True: forget-gate bias initialized to ones (keras gate order i, f, c, o)
    bias = jnp.concatenate([
        jnp.zeros((UNITS,), dtype=jnp.float32),
        jnp.ones((UNITS,), dtype=jnp.float32),
        jnp.zeros((2 * UNITS,), dtype=jnp.float32),
    ])
    W_dense = jax.random.normal(ks[4], (UNITS, VOCAB), dtype=jnp.float32) * 0.05
    b_dense = jnp.zeros((VOCAB,), dtype=jnp.float32)
    return {
        "inputs": inputs,
        "W_emb": W_emb,
        "kernel": kernel,
        "rec_kernel": rec_kernel,
        "bias": bias,
        "W_dense": W_dense,
        "b_dense": b_dense,
    }


def _lstm(x_emb, kernel, rec_kernel, bias):
    # x_emb: [B, T, EMBED]. Keras LSTM: activation=tanh, recurrent_activation=sigmoid,
    # gate order i, f, c, o; zero initial state (get_initial_state).
    b = x_emb.shape[0]
    h0 = jnp.zeros((b, UNITS), dtype=x_emb.dtype)
    c0 = jnp.zeros((b, UNITS), dtype=x_emb.dtype)
    xs = jnp.transpose(x_emb, (1, 0, 2))  # [T, B, EMBED]

    def step(carry, x_t):
        h, c = carry
        z = x_t @ kernel + h @ rec_kernel + bias
        zi, zf, zg, zo = jnp.split(z, 4, axis=-1)
        i = jax.nn.sigmoid(zi)
        f = jax.nn.sigmoid(zf)
        g = jnp.tanh(zg)
        o = jax.nn.sigmoid(zo)
        c_new = f * c + i * g
        h_new = o * jnp.tanh(c_new)
        return (h_new, c_new), h_new

    (_, _), hs = jax.lax.scan(step, (h0, c0), xs)
    return jnp.transpose(hs, (1, 0, 2))  # [B, T, UNITS]


def reference(inputs, W_emb, kernel, rec_kernel, bias, W_dense, b_dense):
    # Embedding lookup
    x = jnp.take(W_emb, inputs, axis=0)  # [B, T, EMBED]
    # LSTM with return_sequences=True (return_state=False path in call)
    h = _lstm(x, kernel, rec_kernel, bias)  # [B, T, UNITS]
    # Dense to vocab logits
    logits = h @ W_dense + b_dense  # [B, T, VOCAB]
    return logits

if __name__ == "__main__":
    import jax
    _d = setup_inputs()
    print(jax.jit(kernel)(*tuple(_d.values())))

</pallas_src>

<mosaic_0001>
#map = affine_map<(d0, d1) -> (0, 0)>
#map1 = affine_map<(d0, d1) -> (0)>
module attributes {stable_mosaic.version = 14 : i64} {
  func.func @gk(%arg0: i32, %arg1: i32, %arg2: memref<1000x128xf32, #tpu.memory_space<hbm>>, %arg3: memref<8192xi32, #tpu.memory_space<hbm>>, %arg4: memref<8192x128xf32, #tpu.memory_space<hbm>>, %arg5: memref<256xi32, #tpu.memory_space<vmem>>, %arg6: memref<256x128xf32, #tpu.memory_space<vmem>>, %arg7: memref<!tpu.dma_semaphore, #tpu.memory_space<semaphore_mem>>) attributes {dimension_semantics = [#tpu.dimension_semantics<core_parallel>, #tpu.dimension_semantics<subcore_parallel>], iteration_bounds = array<i64: 2, 16>, scalar_prefetch = 0 : i64, scratch_operands = 3 : i64, tpu.core_type = #tpu.core_type<sc_vector_subcore>, window_params = [{transform_indices = #map}, {transform_indices = #map1}, {transform_indices = #map}]} {
    %mul3A = arith.constant 2 : i32
    %mul3A_0 = arith.muli %arg1, %mul3A : i32
    %add3A = arith.addi %mul3A_0, %arg0 : i32
    %mul3A_1 = arith.constant 256 : i32
    %mul3A_2 = arith.muli %add3A, %mul3A_1 : i32
    "tpu.region"() ({
      %run_scoped3A = tpu.sem_alloc : memref<!tpu.dma_semaphore, #tpu.memory_space<semaphore_mem>>
      %dma_start3A_7 = tpu.memref_slice %arg3[%mul3A_2] : memref<8192xi32, #tpu.memory_space<hbm>> -> memref<256xi32, #tpu.memory_space<hbm>>
      %dma_start3A_8 = tpu.memref_slice %arg3[%mul3A_2] : memref<8192xi32, #tpu.memory_space<hbm>> -> memref<256xi32, #tpu.memory_space<hbm>>
      tpu.enqueue_dma source(%dma_start3A_8 : memref<256xi32, #tpu.memory_space<hbm>>) target(%arg5 : memref<256xi32, #tpu.memory_space<vmem>>) target_semaphore(%run_scoped3A : memref<!tpu.dma_semaphore, #tpu.memory_space<semaphore_mem>>)
      %dma_wait3A_9 = tpu.memref_slice %arg3[%mul3A_2] : memref<8192xi32, #tpu.memory_space<hbm>> -> memref<256xi32, #tpu.memory_space<hbm>>
      %dma_wait3A_10 = tpu.memref_slice %arg3[%mul3A_2] : memref<8192xi32, #tpu.memory_space<hbm>> -> memref<256xi32, #tpu.memory_space<hbm>>
      tpu.wait_dma2 semaphore(%run_scoped3A : memref<!tpu.dma_semaphore, #tpu.memory_space<semaphore_mem>>) src(%dma_wait3A_10 : memref<256xi32, #tpu.memory_space<hbm>>) dst(%arg5 : memref<256xi32, #tpu.memory_space<vmem>>)
      tpu.yield
    }) : () -> ()
    %dma_start3A = arith.constant 0 : i32
    %dma_start3A_3 = arith.constant 0 : i32
    %dma_start3A_4 = tpu.memref_slice %arg2[%dma_start3A, %dma_start3A_3] : memref<1000x128xf32, #tpu.memory_space<hbm>> -> memref<1000x128xf32, #tpu.memory_space<hbm>>
    tpu.enqueue_indirect_dma source(%dma_start3A_4 : memref<1000x128xf32, #tpu.memory_space<hbm>>) target(%arg6 : memref<256x128xf32, #tpu.memory_space<vmem>>) offsets(%arg5 : memref<256xi32, #tpu.memory_space<vmem>>) semaphore(%arg7 : memref<!tpu.dma_semaphore, #tpu.memory_space<semaphore_mem>>)
    %dma_wait3A = arith.constant 0 : i32
    %dma_wait3A_5 = arith.constant 0 : i32
    %dma_wait3A_6 = tpu.memref_slice %arg2[%dma_wait3A, %dma_wait3A_5] : memref<1000x128xf32, #tpu.memory_space<hbm>> -> memref<1000x128xf32, #tpu.memory_space<hbm>>
    tpu.wait_indirect_dma semaphore(%arg7 : memref<!tpu.dma_semaphore, #tpu.memory_space<semaphore_mem>>) src(%dma_wait3A_6 : memref<1000x128xf32, #tpu.memory_space<hbm>>) dst(%arg6 : memref<256x128xf32, #tpu.memory_space<vmem>>)
    "tpu.region"() ({
      %run_scoped3A = tpu.sem_alloc : memref<!tpu.dma_semaphore, #tpu.memory_space<semaphore_mem>>
      %dma_start3A_7 = arith.constant 0 : i32
      %dma_start3A_8 = tpu.memref_slice %arg4[%mul3A_2, %dma_start3A_7] : memref<8192x128xf32, #tpu.memory_space<hbm>> -> memref<256x128xf32, #tpu.memory_space<hbm>>
      %dma_start3A_9 = arith.constant 0 : i32
      %dma_start3A_10 = tpu.memref_slice %arg4[%mul3A_2, %dma_start3A_9] : memref<8192x128xf32, #tpu.memory_space<hbm>> -> memref<256x128xf32, #tpu.memory_space<hbm>>
      tpu.enqueue_dma source(%arg6 : memref<256x128xf32, #tpu.memory_space<vmem>>) target(%dma_start3A_10 : memref<256x128xf32, #tpu.memory_space<hbm>>) target_semaphore(%run_scoped3A : memref<!tpu.dma_semaphore, #tpu.memory_space<semaphore_mem>>)
      %dma_wait3A_11 = arith.constant 0 : i32
      %dma_wait3A_12 = tpu.memref_slice %arg4[%mul3A_2, %dma_wait3A_11] : memref<8192x128xf32, #tpu.memory_space<hbm>> -> memref<256x128xf32, #tpu.memory_space<hbm>>
      %dma_wait3A_13 = arith.constant 0 : i32
      %dma_wait3A_14 = tpu.memref_slice %arg4[%mul3A_2, %dma_wait3A_13] : memref<8192x128xf32, #tpu.memory_space<hbm>> -> memref<256x128xf32, #tpu.memory_space<hbm>>
      tpu.wait_dma2 semaphore(%run_scoped3A : memref<!tpu.dma_semaphore, #tpu.memory_space<semaphore_mem>>) src(%arg6 : memref<256x128xf32, #tpu.memory_space<vmem>>) dst(%dma_wait3A_14 : memref<256x128xf32, #tpu.memory_space<hbm>>)
      tpu.yield
    }) : () -> ()
    return
  }
}

module attributes {stable_mosaic.version = 14 : i64} {
  func.func @_scan_body(%arg0: i32, %arg1: memref<1024x128xf32, #tpu.memory_space<vmem>>, %arg2: memref<128x2048xf32, #tpu.memory_space<vmem>>, %arg3: memref<512x2048xbf16, #tpu.memory_space<vmem>>, %arg4: memref<1x2048xf32, #tpu.memory_space<vmem>>, %arg5: memref<512x1000xbf16, #tpu.memory_space<vmem>>, %arg6: memref<1x1000xf32, #tpu.memory_space<vmem>>, %arg7: memref<16x64x1000xf32, #tpu.memory_space<vmem>>, %arg8: memref<64x512xf32, #tpu.memory_space<vmem>>, %arg9: memref<64x512xf32, #tpu.memory_space<vmem>>, %arg10: memref<1024x512xbf16, #tpu.memory_space<vmem>>) attributes {dimension_semantics = [#tpu.dimension_semantics<arbitrary>], iteration_bounds = array<i64: 8>, scalar_prefetch = 0 : i64, scratch_operands = 3 : i64, tpu.core_type = #tpu.core_type<tc>, window_params = [{transform_indices = @transform_0, window_bounds = array<i64: 1024, 128>}, {pipeline_mode = #tpu.pipeline_mode<synchronous>, transform_indices = @transform_1, window_bounds = array<i64: 128, 2048>}, {pipeline_mode = #tpu.pipeline_mode<synchronous>, transform_indices = @transform_2, window_bounds = array<i64: 512, 2048>}, {pipeline_mode = #tpu.pipeline_mode<synchronous>, transform_indices = @transform_3, window_bounds = array<i64: 1, 2048>}, {pipeline_mode = #tpu.pipeline_mode<synchronous>, transform_indices = @transform_4, window_bounds = array<i64: 512, 1000>}, {pipeline_mode = #tpu.pipeline_mode<synchronous>, transform_indices = @transform_5, window_bounds = array<i64: 1, 1000>}, {transform_indices = @transform_6, window_bounds = array<i64: 16, 64, 1000>}]} {
    %eq3A = arith.constant 0 : i32
    %eq3A_0 = arith.cmpi eq, %arg0, %eq3A : i32
    %convert_element_type3A = arith.extui %eq3A_0 : i1 to i32
    %cond3A = arith.constant 0 : i32
    %cond3A_1 = arith.cmpi ne, %convert_element_type3A, %cond3A : i32
    scf.if %cond3A_1 {
      %broadcast_in_dim3A = arith.constant 0.000000e+00 : f32
      %broadcast_in_dim3A_869 = vector.broadcast %broadcast_in_dim3A : f32 to vector<64x512xf32>
      %swap3A_870 = arith.constant 0 : index
      %swap3A_871 = arith.constant 0 : index
      %swap3A_872 = vector.load %arg8[%swap3A_870, %swap3A_871] : memref<64x512xf32, #tpu.memory_space<vmem>>, vector<64x512xf32>
      tpu.vector_store %arg8[%swap3A_870, %swap3A_871], %broadcast_in_dim3A_869 {strides = array<i32>} : memref<64x512xf32, #tpu.memory_space<vmem>>, vector<64x512xf32>,
      %broadcast_in_dim3A_873 = arith.constant 0.000000e+00 : f32
      %broadcast_in_dim3A_874 = vector.broadcast %broadcast_in_dim3A_873 : f32 to vector<64x512xf32>
      %swap3A_875 = arith.constant 0 : index
      %swap3A_876 = arith.constant 0 : index
      %swap3A_877 = vector.load %arg9[%swap3A_875, %swap3A_876] : memref<64x512xf32, #tpu.memory_space<vmem>>, vector<64x512xf32>
      tpu.vector_store %arg9[%swap3A_875, %swap3A_876], %broadcast_in_dim3A_874 {strides = array<i32>} : memref<64x512xf32, #tpu.memory_space<vmem>>, vector<64x512xf32>,
    } else {
    }
    %get3A = arith.constant 0 : index
    %get3A_2 = arith.constant 0 : index
    %get3A_3 = vector.load %arg1[%get3A, %get3A_2] : memref<1024x128xf32, #tpu.memory_space<vmem>>, vector<1024x128xf32>
    %get3A_4 = arith.constant 0 : index
    %get3A_5 = arith.constant 0 : index
    %get3A_6 = vector.load %arg2[%get3A_4, %get3A_5] : memref<128x2048xf32, #tpu.memory_space<vmem>>, vector<128x2048xf32>
    %dot_general3A = arith.constant dense<0.000000e+00> : vector<1024x2048xf32>
    %dot_general3A_7 = tpu.matmul %get3A_3, %get3A_6, %dot_general3A {dimension_numbers = #tpu.dot_dimension_numbers<[1], [0], [0], [1], [0, 0, 1, 1], [], []>, transpose_lhs_hint = false} : vector<1024x128xf32>, vector<128x2048xf32>, vector<1024x2048xf32> -> vector<1024x2048xf32>
    %get3A_8 = arith.constant 0 : index
    %get3A_9 = arith.constant 0 : index
    %get3A_10 = vector.load %arg4[%get3A_8, %get3A_9] : memref<1x2048xf32, #tpu.memory_space<vmem>>, vector<1x2048xf32>
    %add3A = vector.broadcast %get3A_10 : vector<1x2048xf32> to vector<1024x2048xf32>
    %add3A_11 = arith.addf %dot_general3A_7, %add3A : vector<1024x2048xf32>
    %get3A_12 = arith.constant 0 : index
    %get3A_13 = arith.constant 0 : index
    %get3A_14 = vector.load %arg9[%get3A_12, %get3A_13] : memref<64x512xf32, #tpu.memory_space<vmem>>, vector<64x512xf32>
    %get3A_15 = arith.constant 0 : index
    %get3A_16 = arith.constant 0 : index
    %get3A_17 = vector.load %arg8[%get3A_15, %get3A_16] : memref<64x512xf32, #tpu.memory_space<vmem>>, vector<64x512xf32>
    %slice3A = vector.extract_strided_slice %add3A_11 {offsets = [0, 0], sizes = [64, 2048], strides = [1, 1]} : vector<1024x2048xf32> to vector<64x2048xf32>
    %convert_element_type3A_18 = arith.truncf %get3A_17 : vector<64x512xf32> to vector<64x512xbf16>
    %get3A_19 = arith.constant 0 : index
    %get3A_20 = arith.constant 0 : index
    %get3A_21 = vector.load %arg3[%get3A_19, %get3A_20] : memref<512x2048xbf16, #tpu.memory_space<vmem>>, vector<512x2048xbf16>
    %dot_general3A_22 = arith.constant dense<0.000000e+00> : vector<64x2048xf32>
    %dot_general3A_23 = tpu.matmul %convert_element_type3A_18, %get3A_21, %dot_general3A_22 {dimension_numbers = #tpu.dot_dimension_numbers<[1], [0], [0], [1], [0, 0, 1, 1], [], []>, transpose_lhs_hint = false} : vector<64x512xbf16>, vector<512x2048xbf16>, vector<64x2048xf32> -> vector<64x2048xf32>
    %add3A_24 = arith.addf %slice3A, %dot_general3A_23 : vector<64x2048xf32>
    %slice3A_25 = vector.extract_strided_slice %add3A_24 {offsets = [0, 0], sizes = [64, 512], strides = [1, 1]} : vector<64x2048xf32> to vector<64x512xf32>
    %mul3A = arith.constant 5.000000e-01 : f32
    %mul3A_26 = vector.broadcast %mul3A : f32 to vector<64x512xf32>
    %mul3A_27 = arith.mulf %mul3A_26, %slice3A_25 : vector<64x512xf32>
    %tanh3A = math.tanh %mul3A_27 : vector<64x512xf32>
    %mul3A_28 = arith.constant 5.000000e-01 : f32
    %mul3A_29 = vector.broadcast %mul3A_28 : f32 to vector<64x512xf32>
    %mul3A_30 = arith.mulf %mul3A_29, %tanh3A : vector<64x512xf32>
    %add3A_31 = arith.constant 5.000000e-01 : f32
    %add3A_32 = vector.broadcast %add3A_31 : f32 to vector<64x512xf32>
    %add3A_33 = arith.addf %mul3A_30, %add3A_32 : vector<64x512xf32>
    %slice3A_34 = vector.extract_strided_slice %add3A_24 {offsets = [0, 512], sizes = [64, 512], strides = [1, 1]} : vector<64x2048xf32> to vector<64x512xf32>
    %mul3A_35 = arith.constant 5.000000e-01 : f32
    %mul3A_36 = vector.broadcast %mul3A_35 : f32 to vector<64x512xf32>
    %mul3A_37 = arith.mulf %mul3A_36, %slice3A_34 : vector<64x512xf32>
    %tanh3A_38 = math.tanh %mul3A_37 : vector<64x512xf32>
    %mul3A_39 = arith.constant 5.000000e-01 : f32
    %mul3A_40 = vector.broadcast %mul3A_39 : f32 to vector<64x512xf32>
    %mul3A_41 = arith.mulf %mul3A_40, %tanh3A_38 : vector<64x512xf32>
    %add3A_42 = arith.constant 5.000000e-01 : f32
    %add3A_43 = vector.broadcast %add3A_42 : f32 to vector<64x512xf32>
    %add3A_44 = arith.addf %mul3A_41, %add3A_43 : vector<64x512xf32>
    %slice3A_45 = vector.extract_strided_slice %add3A_24 {offsets = [0, 1024], sizes = [64, 512], strides = [1, 1]} : vector<64x2048xf32> to vector<64x512xf32>
    %tanh3A_46 = math.tanh %slice3A_45 : vector<64x512xf32>
    %slice3A_47 = vector.extract_strided_slice %add3A_24 {offsets = [0, 1536], sizes = [64, 512], strides = [1, 1]} : vector<64x2048xf32> to vector<64x512xf32>
    %mul3A_48 = arith.constant 5.000000e-01 : f32
    %mul3A_49 = vector.broadcast %mul3A_48 : f32 to vector<64x512xf32>
    %mul3A_50 = arith.mulf %mul3A_49, %slice3A_47 : vector<64x512xf32>
    %tanh3A_51 = math.tanh %mul3A_50 : vector<64x512xf32>
    %mul3A_52 = arith.constant 5.000000e-01 : f32
    %mul3A_53 = vector.broadcast %mul3A_52 : f32 to vector<64x512xf32>
    %mul3A_54 = arith.mulf %mul3A_53, %tanh3A_51 : vector<64x512xf32>
    %add3A_55 = arith.constant 5.000000e-01 : f32
    %add3A_56 = vector.broadcast %add3A_55 : f32 to vector<64x512xf32>
    %add3A_57 = arith.addf %mul3A_54, %add3A_56 : vector<64x512xf32>
    %mul3A_58 = arith.mulf %add3A_44, %get3A_14 : vector<64x512xf32>
    %mul3A_59 = arith.mulf %add3A_33, %tanh3A_46 : vector<64x512xf32>
    %add3A_60 = arith.addf %mul3A_58, %mul3A_59 : vector<64x512xf32>
    %tanh3A_61 = math.tanh %add3A_60 : vector<64x512xf32>
    %mul3A_62 = arith.mulf %add3A_57, %tanh3A_61 : vector<64x512xf32>
    %convert_element_type3A_63 = arith.truncf %mul3A_62 : vector<64x512xf32> to vector<64x512xbf16>
    %swap3A = arith.constant 0 : index
    %swap3A_64 = arith.constant 0 : index
    %swap3A_65 = vector.load %arg10[%swap3A, %swap3A_64] : memref<1024x512xbf16, #tpu.memory_space<vmem>>, vector<64x512xbf16>
    tpu.vector_store %arg10[%swap3A, %swap3A_64], %convert_element_type3A_63 {strides = array<i32>} : memref<1024x512xbf16, #tpu.memory_space<vmem>>, vector<64x512xbf16>,
    %slice3A_66 = vector.extract_strided_slice %add3A_11 {offsets = [64, 0], sizes = [64, 2048], strides = [1, 1]} : vector<1024x2048xf32> to vector<64x2048xf32>
    %convert_element_type3A_67 = arith.truncf %mul3A_62 : vector<64x512xf32> to vector<64x512xbf16>
    %get3A_68 = arith.constant 0 : index
    %get3A_69 = arith.constant 0 : index
    %get3A_70 = vector.load %arg3[%get3A_68, %get3A_69] : memref<512x2048xbf16, #tpu.memory_space<vmem>>, vector<512x2048xbf16>
    %dot_general3A_71 = arith.constant dense<0.000000e+00> : vector<64x2048xf32>
    %dot_general3A_72 = tpu.matmul %convert_element_type3A_67, %get3A_70, %dot_general3A_71 {dimension_numbers = #tpu.dot_dimension_numbers<[1], [0], [0], [1], [0, 0, 1, 1], [], []>, transpose_lhs_hint = false} : vector<64x512xbf16>, vector<512x2048xbf16>, vector<64x2048xf32> -> vector<64x2048xf32>
    %add3A_73 = arith.addf %slice3A_66, %dot_general3A_72 : vector<64x2048xf32>
    %slice3A_74 = vector.extract_strided_slice %add3A_73 {offsets = [0, 0], sizes = [64, 512], strides = [1, 1]} : vector<64x2048xf32> to vector<64x512xf32>
    %mul3A_75 = arith.constant 5.000000e-01 : f32
    %mul3A_76 = vector.broadcast %mul3A_75 : f32 to vector<64x512xf32>
    %mul3A_77 = arith.mulf %mul3A_76, %slice3A_74 : vector<64x512xf32>
    %tanh3A_78 = math.tanh %mul3A_77 : vector<64x512xf32>
    %mul3A_79 = arith.constant 5.000000e-01 : f32
    %mul3A_80 = vector.broadcast %mul3A_79 : f32 to vector<64x512xf32>
    %mul3A_81 = arith.mulf %mul3A_80, %tanh3A_78 : vector<64x512xf32>
    %add3A_82 = arith.constant 5.000000e-01 : f32
    %add3A_83 = vector.broadcast %add3A_82 : f32 to vector<64x512xf32>
    %add3A_84 = arith.addf %mul3A_81, %add3A_83 : vector<64x512xf32>
    %slice3A_85 = vector.extract_strided_slice %add3A_73 {offsets = [0, 512], sizes = [64, 512], strides = [1, 1]} : vector<64x2048xf32> to vector<64x512xf32>
    %mul3A_86 = arith.constant 5.000000e-01 : f32
    %mul3A_87 = vector.broadcast %mul3A_86 : f32 to vector<64x512xf32>
    %mul3A_88 = arith.mulf %mul3A_87, %slice3A_85 : vector<64x512xf32>
    %tanh3A_89 = math.tanh %mul3A_88 : vector<64x512xf32>
    %mul3A_90 = arith.constant 5.000000e-01 : f32
    %mul3A_91 = vector.broadcast %mul3A_90 : f32 to vector<64x512xf32>
    %mul3A_92 = arith.mulf %mul3A_91, %tanh3A_89 : vector<64x512xf32>
    %add3A_93 = arith.constant 5.000000e-01 : f32
    %add3A_94 = vector.broadcast %add3A_93 : f32 to vector<64x512xf32>
    %add3A_95 = arith.addf %mul3A_92, %add3A_94 : vector<64x512xf32>
    %slice3A_96 = vector.extract_strided_slice %add3A_73 {offsets = [0, 1024], sizes = [64, 512], strides = [1, 1]} : vector<64x2048xf32> to vector<64x512xf32>
    %tanh3A_97 = math.tanh %slice3A_96 : vector<64x512xf32>
    %slice3A_98 = vector.extract_strided_slice %add3A_73 {offsets = [0, 1536], sizes = [64, 512], strides = [1, 1]} : vector<64x2048xf32> to vector<64x512xf32>
    %mul3A_99 = arith.constant 5.000000e-01 : f32
    %mul3A_100 = vector.broadcast %mul3A_99 : f32 to vector<64x512xf32>
    %mul3A_101 = arith.mulf %mul3A_100, %slice3A_98 : vector<64x512xf32>
    %tanh3A_102 = math.tanh %mul3A_101 : vector<64x512xf32>
    %mul3A_103 = arith.constant 5.000000e-01 : f32
    %mul3A_104 = vector.broadcast %mul3A_103 : f32 to vector<64x512xf32>
    %mul3A_105 = arith.mulf %mul3A_104, %tanh3A_102 : vector<64x512xf32>
    %add3A_106 = arith.constant 5.000000e-01 : f32
    %add3A_107 = vector.broadcast %add3A_106 : f32 to vector<64x512xf32>
    %add3A_108 = arith.addf %mul3A_105, %add3A_107 : vector<64x512xf32>
    %mul3A_109 = arith.mulf %add3A_95, %add3A_60 : vector<64x512xf32>
    %mul3A_110 = arith.mulf %add3A_84, %tanh3A_97 : vector<64x512xf32>
    %add3A_111 = arith.addf %mul3A_109, %mul3A_110 : vector<64x512xf32>
    %tanh3A_112 = math.tanh %add3A_111 : vector<64x512xf32>
    %mul3A_113 = arith.mulf %add3A_108, %tanh3A_112 : vector<64x512xf32>
    %convert_element_type3A_114 = arith.truncf %mul3A_113 : vector<64x512xf32> to vector<64x512xbf16>
    %swap3A_115 = arith.constant 64 : index
    %swap3A_116 = arith.constant 0 : index
    %swap3A_117 = vector.load %arg10[%swap3A_115, %swap3A_116] : memref<1024x512xbf16, #tpu.memory_space<vmem>>, vector<64x512xbf16>
    tpu.vector_store %arg10[%swap3A_115, %swap3A_116], %convert_element_type3A_114 {strides = array<i32>} : memref<1024x512xbf16, #tpu.memory_space<vmem>>, vector<64x512xbf16>,
    %slice3A_118 = vector.extract_strided_slice %add3A_11 {offsets = [128, 0], sizes = [64, 2048], strides = [1, 1]} : vector<1024x2048xf32> to vector<64x2048xf32>
    %convert_element_type3A_119 = arith.truncf %mul3A_113 : vector<64x512xf32> to vector<64x512xbf16>
    %get3A_120 = arith.constant 0 : index
    %get3A_121 = arith.constant 0 : index
    %get3A_122 = vector.load %arg3[%get3A_120, %get3A_121] : memref<512x2048xbf16, #tpu.memory_space<vmem>>, vector<512x2048xbf16>
    %dot_general3A_123 = arith.constant dense<0.000000e+00> : vector<64x2048xf32>
    %dot_general3A_124 = tpu.matmul %convert_element_type3A_119, %get3A_122, %dot_general3A_123 {dimension_numbers = #tpu.dot_dimension_numbers<[1], [0], [0], [1], [0, 0, 1, 1], [], []>, transpose_lhs_hint = false} : vector<64x512xbf16>, vector<512x2048xbf16>, vector<64x2048xf32> -> vector<64x2048xf32>
    %add3A_125 = arith.addf %slice3A_118, %dot_general3A_124 : vector<64x2048xf32>
    %slice3A_126 = vector.extract_strided_slice %add3A_125 {offsets = [0, 0], sizes = [64, 512], strides = [1, 1]} : vector<64x2048xf32> to vector<64x512xf32>
    %mul3A_127 = arith.constant 5.000000e-01 : f32
    %mul3A_128 = vector.broadcast %mul3A_127 : f32 to vector<64x512xf32>
    %mul3A_129 = arith.mulf %mul3A_128, %slice3A_126 : vector<64x512xf32>
    %tanh3A_130 = math.tanh %mul3A_129 : vector<64x512xf32>
    %mul3A_131 = arith.constant 5.000000e-01 : f32
    %mul3A_132 = vector.broadcast %mul3A_131 : f32 to vector<64x512xf32>
    %mul3A_133 = arith.mulf %mul3A_132, %tanh3A_130 : vector<64x512xf32>
    %add3A_134 = arith.constant 5.000000e-01 : f32
    %add3A_135 = vector.broadcast %add3A_134 : f32 to vector<64x512xf32>
    %add3A_136 = arith.addf %mul3A_133, %add3A_135 : vector<64x512xf32>
    %slice3A_137 = vector.extract_strided_slice %add3A_125 {offsets = [0, 512], sizes = [64, 512], strides = [1, 1]} : vector<64x2048xf32> to vector<64x512xf32>
    %mul3A_138 = arith.constant 5.000000e-01 : f32
    %mul3A_139 = vector.broadcast %mul3A_138 : f32 to vector<64x512xf32>
    %mul3A_140 = arith.mulf %mul3A_139, %slice3A_137 : vector<64x512xf32>
    %tanh3A_141 = math.tanh %mul3A_140 : vector<64x512xf32>
    %mul3A_142 = arith.constant 5.000000e-01 : f32
    %mul3A_143 = vector.broadcast %mul3A_142 : f32 to vector<64x512xf32>
    %mul3A_144 = arith.mulf %mul3A_143, %tanh3A_141 : vector<64x512xf32>
    %add3A_145 = arith.constant 5.000000e-01 : f32
    %add3A_146 = vector.broadcast %add3A_145 : f32 to vector<64x512xf32>
    %add3A_147 = arith.addf %mul3A_144, %add3A_146 : vector<64x512xf32>
    %slice3A_148 = vector.extract_strided_slice %add3A_125 {offsets = [0, 1024], sizes = [64, 512], strides = [1, 1]} : vector<64x2048xf32> to vector<64x512xf32>
    %tanh3A_149 = math.tanh %slice3A_148 : vector<64x512xf32>
    %slice3A_150 = vector.extract_strided_slice %add3A_125 {offsets = [0, 1536], sizes = [64, 512], strides = [1, 1]} : vector<64x2048xf32> to vector<64x512xf32>
    %mul3A_151 = arith.constant 5.000000e-01 : f32
    %mul3A_152 = vector.broadcast %mul3A_151 : f32 to vector<64x512xf32>
    %mul3A_153 = arith.mulf %mul3A_152, %slice3A_150 : vector<64x512xf32>
    %tanh3A_154 = math.tanh %mul3A_153 : vector<64x512xf32>
    %mul3A_155 = arith.constant 5.000000e-01 : f32
    %mul3A_156 = vector.broadcast %mul3A_155 : f32 to vector<64x512xf32>
    %mul3A_157 = arith.mulf %mul3A_156, %tanh3A_154 : vector<64x512xf32>
    %add3A_158 = arith.constant 5.000000e-01 : f32
    %add3A_159 = vector.broadcast %add3A_158 : f32 to vector<64x512xf32>
    %add3A_160 = arith.addf %mul3A_157, %add3A_159 : vector<64x512xf32>
    %mul3A_161 = arith.mulf %add3A_147, %add3A_111 : vector<64x512xf32>
    %mul3A_162 = arith.mulf %add3A_136, %tanh3A_149 : vector<64x512xf32>
    %add3A_163 = arith.addf %mul3A_161, %mul3A_162 : vector<64x512xf32>
    %tanh3A_164 = math.tanh %add3A_163 : vector<64x512xf32>
    %mul3A_165 = arith.mulf %add3A_160, %tanh3A_164 : vector<64x512xf32>
    %convert_element_type3A_166 = arith.truncf %mul3A_165 : vector<64x512xf32> to vector<64x512xbf16>
    %swap3A_167 = arith.constant 128 : index
    %swap3A_168 = arith.constant 0 : index
    %swap3A_169 = vector.load %arg10[%swap3A_167, %swap3A_168] : memref<1024x512xbf16, #tpu.memory_space<vmem>>, vector<64x512xbf16>
    tpu.vector_store %arg10[%swap3A_167, %swap3A_168], %convert_element_type3A_166 {strides = array<i32>} : memref<1024x512xbf16, #tpu.memory_space<vmem>>, vector<64x512xbf16>,
    %slice3A_170 = vector.extract_strided_slice %add3A_11 {offsets = [192, 0], sizes = [64, 2048], strides = [1, 1]} : vector<1024x2048xf32> to vector<64x2048xf32>
    %convert_element_type3A_171 = arith.truncf %mul3A_165 : vector<64x512xf32> to vector<64x512xbf16>
    %get3A_172 = arith.constant 0 : index
    %get3A_173 = arith.constant 0 : index
    %get3A_174 = vector.load %arg3[%get3A_172, %get3A_173] : memref<512x2048xbf16, #tpu.memory_space<vmem>>, vector<512x2048xbf16>
    %dot_general3A_175 = arith.constant dense<0.000000e+00> : vector<64x2048xf32>
    %dot_general3A_176 = tpu.matmul %convert_element_type3A_171, %get3A_174, %dot_general3A_175 {dimension_numbers = #tpu.dot_dimension_numbers<[1], [0], [0], [1], [0, 0, 1, 1], [], []>, transpose_lhs_hint = false} : vector<64x512xbf16>, vector<512x2048xbf16>, vector<64x2048xf32> -> vector<64x2048xf32>
    %add3A_177 = arith.addf %slice3A_170, %dot_general3A_176 : vector<64x2048xf32>
    %slice3A_178 = vector.extract_strided_slice %add3A_177 {offsets = [0, 0], sizes = [64, 512], strides = [1, 1]} : vector<64x2048xf32> to vector<64x512xf32>
    %mul3A_179 = arith.constant 5.000000e-01 : f32
    %mul3A_180 = vector.broadcast %mul3A_179 : f32 to vector<64x512xf32>
    %mul3A_181 = arith.mulf %mul3A_180, %slice3A_178 : vector<64x512xf32>
    %tanh3A_182 = math.tanh %mul3A_181 : vector<64x512xf32>
    %mul3A_183 = arith.constant 5.000000e-01 : f32
    %mul3A_184 = vector.broadcast %mul3A_183 : f32 to vector<64x512xf32>
    %mul3A_185 = arith.mulf %mul3A_184, %tanh3A_182 : vector<64x512xf32>
    %add3A_186 = arith.constant 5.000000e-01 : f32
    %add3A_187 = vector.broadcast %add3A_186 : f32 to vector<64x512xf32>
    %add3A_188 = arith.addf %mul3A_185, %add3A_187 : vector<64x512xf32>
    %slice3A_189 = vector.extract_strided_slice %add3A_177 {offsets = [0, 512], sizes = [64, 512], strides = [1, 1]} : vector<64x2048xf32> to vector<64x512xf32>
    %mul3A_190 = arith.constant 5.000000e-01 : f32
    %mul3A_191 = vector.broadcast %mul3A_190 : f32 to vector<64x512xf32>
    %mul3A_192 = arith.mulf %mul3A_191, %slice3A_189 : vector<64x512xf32>
    %tanh3A_193 = math.tanh %mul3A_192 : vector<64x512xf32>
    %mul3A_194 = arith.constant 5.000000e-01 : f32
    %mul3A_195 = vector.broadcast %mul3A_194 : f32 to vector<64x512xf32>
    %mul3A_196 = arith.mulf %mul3A_195, %tanh3A_193 : vector<64x512xf32>
    %add3A_197 = arith.constant 5.000000e-01 : f32
    %add3A_198 = vector.broadcast %add3A_197 : f32 to vector<64x512xf32>
    %add3A_199 = arith.addf %mul3A_196, %add3A_198 : vector<64x512xf32>
    %slice3A_200 = vector.extract_strided_slice %add3A_177 {offsets = [0, 1024], sizes = [64, 512], strides = [1, 1]} : vector<64x2048xf32> to vector<64x512xf32>
    %tanh3A_201 = math.tanh %slice3A_200 : vector<64x512xf32>
    %slice3A_202 = vector.extract_strided_slice %add3A_177 {offsets = [0, 1536], sizes = [64, 512], strides = [1, 1]} : vector<64x2048xf32> to vector<64x512xf32>
    %mul3A_203 = arith.constant 5.000000e-01 : f32
    %mul3A_204 = vector.broadcast %mul3A_203 : f32 to vector<64x512xf32>
    %mul3A_205 = arith.mulf %mul3A_204, %slice3A_202 : vector<64x512xf32>
    %tanh3A_206 = math.tanh %mul3A_205 : vector<64x512xf32>
    %mul3A_207 = arith.constant 5.000000e-01 : f32
    %mul3A_208 = vector.broadcast %mul3A_207 : f32 to vector<64x512xf32>
    %mul3A_209 = arith.mulf %mul3A_208, %tanh3A_206 : vector<64x512xf32>
    %add3A_210 = arith.constant 5.000000e-01 : f32
    %add3A_211 = vector.broadcast %add3A_210 : f32 to vector<64x512xf32>
    %add3A_212 = arith.addf %mul3A_209, %add3A_211 : vector<64x512xf32>
    %mul3A_213 = arith.mulf %add3A_199, %add3A_163 : vector<64x512xf32>
    %mul3A_214 = arith.mulf %add3A_188, %tanh3A_201 : vector<64x512xf32>
    %add3A_215 = arith.addf %mul3A_213, %mul3A_214 : vector<64x512xf32>
    %tanh3A_216 = math.tanh %add3A_215 : vector<64x512xf32>
    %mul3A_217 = arith.mulf %add3A_212, %tanh3A_216 : vector<64x512xf32>
    %convert_element_type3A_218 = arith.truncf %mul3A_217 : vector<64x512xf32> to vector<64x512xbf16>
    %swap3A_219 = arith.constant 192 : index
    %swap3A_220 = arith.constant 0 : index
    %swap3A_221 = vector.load %arg10[%swap3A_219, %swap3A_220] : memref<1024x512xbf16, #tpu.memory_space<vmem>>, vector<64x512xbf16>
    tpu.vector_store %arg10[%swap3A_219, %swap3A_220], %convert_element_type3A_218 {strides = array<i32>} : memref<1024x512xbf16, #tpu.memory_space<vmem>>, vector<64x512xbf16>,
    %slice3A_222 = vector.extract_strided_slice %add3A_11 {offsets = [256, 0], sizes = [64, 2048], strides = [1, 1]} : vector<1024x2048xf32> to vector<64x2048xf32>
    %convert_element_type3A_223 = arith.truncf %mul3A_217 : vector<64x512xf32> to vector<64x512xbf16>
    %get3A_224 = arith.constant 0 : index
    %get3A_225 = arith.constant 0 : index
    %get3A_226 = vector.load %arg3[%get3A_224, %get3A_225] : memref<512x2048xbf16, #tpu.memory_space<vmem>>, vector<512x2048xbf16>
    %dot_general3A_227 = arith.constant dense<0.000000e+00> : vector<64x2048xf32>
    %dot_general3A_228 = tpu.matmul %convert_element_type3A_223, %get3A_226, %dot_general3A_227 {dimension_numbers = #tpu.dot_dimension_numbers<[1], [0], [0], [1], [0, 0, 1, 1], [], []>, transpose_lhs_hint = false} : vector<64x512xbf16>, vector<512x2048xbf16>, vector<64x2048xf32> -> vector<64x2048xf32>
    %add3A_229 = arith.addf %slice3A_222, %dot_general3A_228 : vector<64x2048xf32>
    %slice3A_230 = vector.extract_strided_slice %add3A_229 {offsets = [0, 0], sizes = [64, 512], strides = [1, 1]} : vector<64x2048xf32> to vector<64x512xf32>
    %mul3A_231 = arith.constant 5.000000e-01 : f32
    %mul3A_232 = vector.broadcast %mul3A_231 : f32 to vector<64x512xf32>
    %mul3A_233 = arith.mulf %mul3A_232, %slice3A_230 : vector<64x512xf32>
    %tanh3A_234 = math.tanh %mul3A_233 : vector<64x512xf32>
    %mul3A_235 = arith.constant 5.000000e-01 : f32
    %mul3A_236 = vector.broadcast %mul3A_235 : f32 to vector<64x512xf32>
    %mul3A_237 = arith.mulf %mul3A_236, %tanh3A_234 : vector<64x512xf32>
    %add3A_238 = arith.constant 5.000000e-01 : f32
    %add3A_239 = vector.broadcast %add3A_238 : f32 to vector<64x512xf32>
    %add3A_240 = arith.addf %mul3A_237, %add3A_239 : vector<64x512xf32>
    %slice3A_241 = vector.extract_strided_slice %add3A_229 {offsets = [0, 512], sizes = [64, 512], strides = [1, 1]} : vector<64x2048xf32> to vector<64x512xf32>
    %mul3A_242 = arith.constant 5.000000e-01 : f32
    %mul3A_243 = vector.broadcast %mul3A_242 : f32 to vector<64x512xf32>
    %mul3A_244 = arith.mulf %mul3A_243, %slice3A_241 : vector<64x512xf32>
    %tanh3A_245 = math.tanh %mul3A_244 : vector<64x512xf32>
    %mul3A_246 = arith.constant 5.000000e-01 : f32
    %mul3A_247 = vector.broadcast %mul3A_246 : f32 to vector<64x512xf32>
    %mul3A_248 = arith.mulf %mul3A_247, %tanh3A_245 : vector<64x512xf32>
    %add3A_249 = arith.constant 5.000000e-01 : f32
    %add3A_250 = vector.broadcast %add3A_249 : f32 to vector<64x512xf32>
    %add3A_251 = arith.addf %mul3A_248, %add3A_250 : vector<64x512xf32>
    %slice3A_252 = vector.extract_strided_slice %add3A_229 {offsets = [0, 1024], sizes = [64, 512], strides = [1, 1]} : vector<64x2048xf32> to vector<64x512xf32>
    %tanh3A_253 = math.tanh %slice3A_252 : vector<64x512xf32>
    %slice3A_254 = vector.extract_strided_slice %add3A_229 {offsets = [0, 1536], sizes = [64, 512], strides = [1, 1]} : vector<64x2048xf32> to vector<64x512xf32>
    %mul3A_255 = arith.constant 5.000000e-01 : f32
    %mul3A_256 = vector.broadcast %mul3A_255 : f32 to vector<64x512xf32>
    %mul3A_257 = arith.mulf %mul3A_256, %slice3A_254 : vector<64x512xf32>
    %tanh3A_258 = math.tanh %mul3A_257 : vector<64x512xf32>
    %mul3A_259 = arith.constant 5.000000e-01 : f32
    %mul3A_260 = vector.broadcast %mul3A_259 : f32 to vector<64x512xf32>
    %mul3A_261 = arith.mulf %mul3A_260, %tanh3A_258 : vector<64x512xf32>
    %add3A_262 = arith.constant 5.000000e-01 : f32
    %add3A_263 = vector.broadcast %add3A_262 : f32 to vector<64x512xf32>
    %add3A_264 = arith.addf %mul3A_261, %add3A_263 : vector<64x512xf32>
    %mul3A_265 = arith.mulf %add3A_251, %add3A_215 : vector<64x512xf32>
    %mul3A_266 = arith.mulf %add3A_240, %tanh3A_253 : vector<64x512xf32>
    %add3A_267 = arith.addf %mul3A_265, %mul3A_266 : vector<64x512xf32>
    %tanh3A_268 = math.tanh %add3A_267 : vector<64x512xf32>
    %mul3A_269 = arith.mulf %add3A_264, %tanh3A_268 : vector<64x512xf32>
    %convert_element_type3A_270 = arith.truncf %mul3A_269 : vector<64x512xf32> to vector<64x512xbf16>
    %swap3A_271 = arith.constant 256 : index
    %swap3A_272 = arith.constant 0 : index
    %swap3A_273 = vector.load %arg10[%swap3A_271, %swap3A_272] : memref<1024x512xbf16, #tpu.memory_space<vmem>>, vector<64x512xbf16>
    tpu.vector_store %arg10[%swap3A_271, %swap3A_272], %convert_element_type3A_270 {strides = array<i32>} : memref<1024x512xbf16, #tpu.memory_space<vmem>>, vector<64x512xbf16>,
    %slice3A_274 = vector.extract_strided_slice %add3A_11 {offsets = [320, 0], sizes = [64, 2048], strides = [1, 1]} : vector<1024x2048xf32> to vector<64x2048xf32>
    %convert_element_type3A_275 = arith.truncf %mul3A_269 : vector<64x512xf32> to vector<64x512xbf16>
    %get3A_276 = arith.constant 0 : index
    %get3A_277 = arith.constant 0 : index
    %get3A_278 = vector.load %arg3[%get3A_276, %get3A_277] : memref<512x2048xbf16, #tpu.memory_space<vmem>>, vector<512x2048xbf16>
    %dot_general3A_279 = arith.constant dense<0.000000e+00> : vector<64x2048xf32>
    %dot_general3A_280 = tpu.matmul %convert_element_type3A_275, %get3A_278, %dot_general3A_279 {dimension_numbers = #tpu.dot_dimension_numbers<[1], [0], [0], [1], [0, 0, 1, 1], [], []>, transpose_lhs_hint = false} : vector<64x512xbf16>, vector<512x2048xbf16>, vector<64x2048xf32> -> vector<64x2048xf32>
    %add3A_281 = arith.addf %slice3A_274, %dot_general3A_280 : vector<64x2048xf32>
    %slice3A_282 = vector.extract_strided_slice %add3A_281 {offsets = [0, 0], sizes = [64, 512], strides = [1, 1]} : vector<64x2048xf32> to vector<64x512xf32>
    %mul3A_283 = arith.constant 5.000000e-01 : f32
    %mul3A_284 = vector.broadcast %mul3A_283 : f32 to vector<64x512xf32>
    %mul3A_285 = arith.mulf %mul3A_284, %slice3A_282 : vector<64x512xf32>
    %tanh3A_286 = math.tanh %mul3A_285 : vector<64x512xf32>
    %mul3A_287 = arith.constant 5.000000e-01 : f32
    %mul3A_288 = vector.broadcast %mul3A_287 : f32 to vector<64x512xf32>
    %mul3A_289 = arith.mulf %mul3A_288, %tanh3A_286 : vector<64x512xf32>
    %add3A_290 = arith.constant 5.000000e-01 : f32
    %add3A_291 = vector.broadcast %add3A_290 : f32 to vector<64x512xf32>
    %add3A_292 = arith.addf %mul3A_289, %add3A_291 : vector<64x512xf32>
    %slice3A_293 = vector.extract_strided_slice %add3A_281 {offsets = [0, 512], sizes = [64, 512], strides = [1, 1]} : vector<64x2048xf32> to vector<64x512xf32>
    %mul3A_294 = arith.constant 5.000000e-01 : f32
    %mul3A_295 = vector.broadcast %mul3A_294 : f32 to vector<64x512xf32>
    %mul3A_296 = arith.mulf %mul3A_295, %slice3A_293 : vector<64x512xf32>
    %tanh3A_297 = math.tanh %mul3A_296 : vector<64x512xf32>
    %mul3A_298 = arith.constant 5.000000e-01 : f32
    %mul3A_299 = vector.broadcast %mul3A_298 : f32 to vector<64x512xf32>
    %mul3A_300 = arith.mulf %mul3A_299, %tanh3A_297 : vector<64x512xf32>
    %add3A_301 = arith.constant 5.000000e-01 : f32
    %add3A_302 = vector.broadcast %add3A_301 : f32 to vector<64x512xf32>
    %add3A_303 = arith.addf %mul3A_300, %add3A_302 : vector<64x512xf32>
    %slice3A_304 = vector.extract_strided_slice %add3A_281 {offsets = [0, 1024], sizes = [64, 512], strides = [1, 1]} : vector<64x2048xf32> to vector<64x512xf32>
    %tanh3A_305 = math.tanh %slice3A_304 : vector<64x512xf32>
    %slice3A_306 = vector.extract_strided_slice %add3A_281 {offsets = [0, 1536], sizes = [64, 512], strides = [1, 1]} : vector<64x2048xf32> to vector<64x512xf32>
    %mul3A_307 = arith.constant 5.000000e-01 : f32
    %mul3A_308 = vector.broadcast %mul3A_307 : f32 to vector<64x512xf32>
    %mul3A_309 = arith.mulf %mul3A_308, %slice3A_306 : vector<64x512xf32>
    %tanh3A_310 = math.tanh %mul3A_309 : vector<64x512xf32>
    %mul3A_311 = arith.constant 5.000000e-01 : f32
    %mul3A_312 = vector.broadcast %mul3A_311 : f32 to vector<64x512xf32>
    %mul3A_313 = arith.mulf %mul3A_312, %tanh3A_310 : vector<64x512xf32>
    %add3A_314 = arith.constant 5.000000e-01 : f32
    %add3A_315 = vector.broadcast %add3A_314 : f32 to vector<64x512xf32>
    %add3A_316 = arith.addf %mul3A_313, %add3A_315 : vector<64x512xf32>
    %mul3A_317 = arith.mulf %add3A_303, %add3A_267 : vector<64x512xf32>
    %mul3A_318 = arith.mulf %add3A_292, %tanh3A_305 : vector<64x512xf32>
    %add3A_319 = arith.addf %mul3A_317, %mul3A_318 : vector<64x512xf32>
    %tanh3A_320 = math.tanh %add3A_319 : vector<64x512xf32>
    %mul3A_321 = arith.mulf %add3A_316, %tanh3A_320 : vector<64x512xf32>
    %convert_element_type3A_322 = arith.truncf %mul3A_321 : vector<64x512xf32> to vector<64x512xbf16>
    %swap3A_323 = arith.constant 320 : index
    %swap3A_324 = arith.constant 0 : index
    %swap3A_325 = vector.load %arg10[%swap3A_323, %swap3A_324] : memref<1024x512xbf16, #tpu.memory_space<vmem>>, vector<64x512xbf16>
    tpu.vector_store %arg10[%swap3A_323, %swap3A_324], %convert_element_type3A_322 {strides = array<i32>} : memref<1024x512xbf16, #tpu.memory_space<vmem>>, vector<64x512xbf16>,
    %slice3A_326 = vector.extract_strided_slice %add3A_11 {offsets = [384, 0], sizes = [64, 2048], strides = [1, 1]} : vector<1024x2048xf32> to vector<64x2048xf32>
    %convert_element_type3A_327 = arith.truncf %mul3A_321 : vector<64x512xf32> to vector<64x512xbf16>
    %get3A_328 = arith.constant 0 : index
    %get3A_329 = arith.constant 0 : index
    %get3A_330 = vector.load %arg3[%get3A_328, %get3A_329] : memref<512x2048xbf16, #tpu.memory_space<vmem>>, vector<512x2048xbf16>
    %dot_general3A_331 = arith.constant dense<0.000000e+00> : vector<64x2048xf32>
    %dot_general3A_332 = tpu.matmul %convert_element_type3A_327, %get3A_330, %dot_general3A_331 {dimension_numbers = #tpu.dot_dimension_numbers<[1], [0], [0], [1], [0, 0, 1, 1], [], []>, transpose_lhs_hint = false} : vector<64x512xbf16>, vector<512x2048xbf16>, vector<64x2048xf32> -> vector<64x2048xf32>
    %add3A_333 = arith.addf %slice3A_326, %dot_general3A_332 : vector<64x2048xf32>
    %slice3A_334 = vector.extract_strided_slice %add3A_333 {offsets = [0, 0], sizes = [64, 512], strides = [1, 1]} : vector<64x2048xf32> to vector<64x512xf32>
    %mul3A_335 = arith.constant 5.000000e-01 : f32
    %mul3A_336 = vector.broadcast %mul3A_335 : f32 to vector<64x512xf32>
    %mul3A_337 = arith.mulf %mul3A_336, %slice3A_334 : vector<64x512xf32>
    %tanh3A_338 = math.tanh %mul3A_337 : vector<64x512xf32>
    %mul3A_339 = arith.constant 5.000000e-01 : f32
    %mul3A_340 = vector.broadcast %mul3A_339 : f32 to vector<64x512xf32>
    %mul3A_341 = arith.mulf %mul3A_340, %tanh3A_338 : vector<64x512xf32>
    %add3A_342 = arith.constant 5.000000e-01 : f32
    %add3A_343 = vector.broadcast %add3A_342 : f32 to vector<64x512xf32>
    %add3A_344 = arith.addf %mul3A_341, %add3A_343 : vector<64x512xf32>
    %slice3A_345 = vector.extract_strided_slice %add3A_333 {offsets = [0, 512], sizes = [64, 512], strides = [1, 1]} : vector<64x2048xf32> to vector<64x512xf32>
    %mul3A_346 = arith.constant 5.000000e-01 : f32
    %mul3A_347 = vector.broadcast %mul3A_346 : f32 to vector<64x512xf32>
    %mul3A_348 = arith.mulf %mul3A_347, %slice3A_345 : vector<64x512xf32>
    %tanh3A_349 = math.tanh %mul3A_348 : vector<64x512xf32>
    %mul3A_350 = arith.constant 5.000000e-01 : f32
    %mul3A_351 = vector.broadcast %mul3A_350 : f32 to vector<64x512xf32>
    %mul3A_352 = arith.mulf %mul3A_351, %tanh3A_349 : vector<64x512xf32>
    %add3A_353 = arith.constant 5.000000e-01 : f32
    %add3A_354 = vector.broadcast %add3A_353 : f32 to vector<64x512xf32>
    %add3A_355 = arith.addf %mul3A_352, %add3A_354 : vector<64x512xf32>
    %slice3A_356 = vector.extract_strided_slice %add3A_333 {offsets = [0, 1024], sizes = [64, 512], strides = [1, 1]} : vector<64x2048xf32> to vector<64x512xf32>
    %tanh3A_357 = math.tanh %slice3A_356 : vector<64x512xf32>
    %slice3A_358 = vector.extract_strided_slice %add3A_333 {offsets = [0, 1536], sizes = [64, 512], strides = [1, 1]} : vector<64x2048xf32> to vector<64x512xf32>
    %mul3A_359 = arith.constant 5.000000e-01 : f32
    %mul3A_360 = vector.broadcast %mul3A_359 : f32 to vector<64x512xf32>
    %mul3A_361 = arith.mulf %mul3A_360, %slice3A_358 : vector<64x512xf32>
    %tanh3A_362 = math.tanh %mul3A_361 : vector<64x512xf32>
    %mul3A_363 = arith.constant 5.000000e-01 : f32
    %mul3A_364 = vector.broadcast %mul3A_363 : f32 to vector<64x512xf32>
    %mul3A_365 = arith.mulf %mul3A_364, %tanh3A_362 : vector<64x512xf32>
    %add3A_366 = arith.constant 5.000000e-01 : f32
    %add3A_367 = vector.broadcast %add3A_366 : f32 to vector<64x512xf32>
    %add3A_368 = arith.addf %mul3A_365, %add3A_367 : vector<64x512xf32>
    %mul3A_369 = arith.mulf %add3A_355, %add3A_319 : vector<64x512xf32>
    %mul3A_370 = arith.mulf %add3A_344, %tanh3A_357 : vector<64x512xf32>
    %add3A_371 = arith.addf %mul3A_369, %mul3A_370 : vector<64x512xf32>
    %tanh3A_372 = math.tanh %add3A_371 : vector<64x512xf32>
    %mul3A_373 = arith.mulf %add3A_368, %tanh3A_372 : vector<64x512xf32>
    %convert_element_type3A_374 = arith.truncf %mul3A_373 : vector<64x512xf32> to vector<64x512xbf16>
    %swap3A_375 = arith.constant 384 : index
    %swap3A_376 = arith.constant 0 : index
    %swap3A_377 = vector.load %arg10[%swap3A_375, %swap3A_376] : memref<1024x512xbf16, #tpu.memory_space<vmem>>, vector<64x512xbf16>
    tpu.vector_store %arg10[%swap3A_375, %swap3A_376], %convert_element_type3A_374 {strides = array<i32>} : memref<1024x512xbf16, #tpu.memory_space<vmem>>, vector<64x512xbf16>,
    %slice3A_378 = vector.extract_strided_slice %add3A_11 {offsets = [448, 0], sizes = [64, 2048], strides = [1, 1]} : vector<1024x2048xf32> to vector<64x2048xf32>
    %convert_element_type3A_379 = arith.truncf %mul3A_373 : vector<64x512xf32> to vector<64x512xbf16>
    %get3A_380 = arith.constant 0 : index
    %get3A_381 = arith.constant 0 : index
    %get3A_382 = vector.load %arg3[%get3A_380, %get3A_381] : memref<512x2048xbf16, #tpu.memory_space<vmem>>, vector<512x2048xbf16>
    %dot_general3A_383 = arith.constant dense<0.000000e+00> : vector<64x2048xf32>
    %dot_general3A_384 = tpu.matmul %convert_element_type3A_379, %get3A_382, %dot_general3A_383 {dimension_numbers = #tpu.dot_dimension_numbers<[1], [0], [0], [1], [0, 0, 1, 1], [], []>, transpose_lhs_hint = false} : vector<64x512xbf16>, vector<512x2048xbf16>, vector<64x2048xf32> -> vector<64x2048xf32>
    %add3A_385 = arith.addf %slice3A_378, %dot_general3A_384 : vector<64x2048xf32>
    %slice3A_386 = vector.extract_strided_slice %add3A_385 {offsets = [0, 0], sizes = [64, 512], strides = [1, 1]} : vector<64x2048xf32> to vector<64x512xf32>
    %mul3A_387 = arith.constant 5.000000e-01 : f32
    %mul3A_388 = vector.broadcast %mul3A_387 : f32 to vector<64x512xf32>
    %mul3A_389 = arith.mulf %mul3A_388, %slice3A_386 : vector<64x512xf32>
    %tanh3A_390 = math.tanh %mul3A_389 : vector<64x512xf32>
    %mul3A_391 = arith.constant 5.000000e-01 : f32
    %mul3A_392 = vector.broadcast %mul3A_391 : f32 to vector<64x512xf32>
    %mul3A_393 = arith.mulf %mul3A_392, %tanh3A_390 : vector<64x512xf32>
    %add3A_394 = arith.constant 5.000000e-01 : f32
    %add3A_395 = vector.broadcast %add3A_394 : f32 to vector<64x512xf32>
    %add3A_396 = arith.addf %mul3A_393, %add3A_395 : vector<64x512xf32>
    %slice3A_397 = vector.extract_strided_slice %add3A_385 {offsets = [0, 512], sizes = [64, 512], strides = [1, 1]} : vector<64x2048xf32> to vector<64x512xf32>
    %mul3A_398 = arith.constant 5.000000e-01 : f32
    %mul3A_399 = vector.broadcast %mul3A_398 : f32 to vector<64x512xf32>
    %mul3A_400 = arith.mulf %mul3A_399, %slice3A_397 : vector<64x512xf32>
    %tanh3A_401 = math.tanh %mul3A_400 : vector<64x512xf32>
    %mul3A_402 = arith.constant 5.000000e-01 : f32
    %mul3A_403 = vector.broadcast %mul3A_402 : f32 to vector<64x512xf32>
    %mul3A_404 = arith.mulf %mul3A_403, %tanh3A_401 : vector<64x512xf32>
    %add3A_405 = arith.constant 5.000000e-01 : f32
    %add3A_406 = vector.broadcast %add3A_405 : f32 to vector<64x512xf32>
    %add3A_407 = arith.addf %mul3A_404, %add3A_406 : vector<64x512xf32>
    %slice3A_408 = vector.extract_strided_slice %add3A_385 {offsets = [0, 1024], sizes = [64, 512], strides = [1, 1]} : vector<64x2048xf32> to vector<64x512xf32>
    %tanh3A_409 = math.tanh %slice3A_408 : vector<64x512xf32>
    %slice3A_410 = vector.extract_strided_slice %add3A_385 {offsets = [0, 1536], sizes = [64, 512], strides = [1, 1]} : vector<64x2048xf32> to vector<64x512xf32>
    %mul3A_411 = arith.constant 5.000000e-01 : f32
    %mul3A_412 = vector.broadcast %mul3A_411 : f32 to vector<64x512xf32>
    %mul3A_413 = arith.mulf %mul3A_412, %slice3A_410 : vector<64x512xf32>
    %tanh3A_414 = math.tanh %mul3A_413 : vector<64x512xf32>
    %mul3A_415 = arith.constant 5.000000e-01 : f32
    %mul3A_416 = vector.broadcast %mul3A_415 : f32 to vector<64x512xf32>
    %mul3A_417 = arith.mulf %mul3A_416, %tanh3A_414 : vector<64x512xf32>
    %add3A_418 = arith.constant 5.000000e-01 : f32
    %add3A_419 = vector.broadcast %add3A_418 : f32 to vector<64x512xf32>
    %add3A_420 = arith.addf %mul3A_417, %add3A_419 : vector<64x512xf32>
    %mul3A_421 = arith.mulf %add3A_407, %add3A_371 : vector<64x512xf32>
    %mul3A_422 = arith.mulf %add3A_396, %tanh3A_409 : vector<64x512xf32>
    %add3A_423 = arith.addf %mul3A_421, %mul3A_422 : vector<64x512xf32>
    %tanh3A_424 = math.tanh %add3A_423 : vector<64x512xf32>
    %mul3A_425 = arith.mulf %add3A_420, %tanh3A_424 : vector<64x512xf32>
    %convert_element_type3A_426 = arith.truncf %mul3A_425 : vector<64x512xf32> to vector<64x512xbf16>
    %swap3A_427 = arith.constant 448 : index
    %swap3A_428 = arith.constant 0 : index
    %swap3A_429 = vector.load %arg10[%swap3A_427, %swap3A_428] : memref<1024x512xbf16, #tpu.memory_space<vmem>>, vector<64x512xbf16>
    tpu.vector_store %arg10[%swap3A_427, %swap3A_428], %convert_element_type3A_426 {strides = array<i32>} : memref<1024x512xbf16, #tpu.memory_space<vmem>>, vector<64x512xbf16>,
    %slice3A_430 = vector.extract_strided_slice %add3A_11 {offsets = [512, 0], sizes = [64, 2048], strides = [1, 1]} : vector<1024x2048xf32> to vector<64x2048xf32>
    %convert_element_type3A_431 = arith.truncf %mul3A_425 : vector<64x512xf32> to vector<64x512xbf16>
    %get3A_432 = arith.constant 0 : index
    %get3A_433 = arith.constant 0 : index
    %get3A_434 = vector.load %arg3[%get3A_432, %get3A_433] : memref<512x2048xbf16, #tpu.memory_space<vmem>>, vector<512x2048xbf16>
    %dot_general3A_435 = arith.constant dense<0.000000e+00> : vector<64x2048xf32>
    %dot_general3A_436 = tpu.matmul %convert_element_type3A_431, %get3A_434, %dot_general3A_435 {dimension_numbers = #tpu.dot_dimension_numbers<[1], [0], [0], [1], [0, 0, 1, 1], [], []>, transpose_lhs_hint = false} : vector<64x512xbf16>, vector<512x2048xbf16>, vector<64x2048xf32> -> vector<64x2048xf32>
    %add3A_437 = arith.addf %slice3A_430, %dot_general3A_436 : vector<64x2048xf32>
    %slice3A_438 = vector.extract_strided_slice %add3A_437 {offsets = [0, 0], sizes = [64, 512], strides = [1, 1]} : vector<64x2048xf32> to vector<64x512xf32>
    %mul3A_439 = arith.constant 5.000000e-01 : f32
    %mul3A_440 = vector.broadcast %mul3A_439 : f32 to vector<64x512xf32>
    %mul3A_441 = arith.mulf %mul3A_440, %slice3A_438 : vector<64x512xf32>
    %tanh3A_442 = math.tanh %mul3A_441 : vector<64x512xf32>
    %mul3A_443 = arith.constant 5.000000e-01 : f32
    %mul3A_444 = vector.broadcast %mul3A_443 : f32 to vector<64x512xf32>
    %mul3A_445 = arith.mulf %mul3A_444, %tanh3A_442 : vector<64x512xf32>
    %add3A_446 = arith.constant 5.000000e-01 : f32
    %add3A_447 = vector.broadcast %add3A_446 : f32 to vector<64x512xf32>
    %add3A_448 = arith.addf %mul3A_445, %add3A_447 : vector<64x512xf32>
    %slice3A_449 = vector.extract_strided_slice %add3A_437 {offsets = [0, 512], sizes = [64, 512], strides = [1, 1]} : vector<64x2048xf32> to vector<64x512xf32>
    %mul3A_450 = arith.constant 5.000000e-01 : f32
    %mul3A_451 = vector.broadcast %mul3A_450 : f32 to vector<64x512xf32>
    %mul3A_452 = arith.mulf %mul3A_451, %slice3A_449 : vector<64x512xf32>
    %tanh3A_453 = math.tanh %mul3A_452 : vector<64x512xf32>
    %mul3A_454 = arith.constant 5.000000e-01 : f32
    %mul3A_455 = vector.broadcast %mul3A_454 : f32 to vector<64x512xf32>
    %mul3A_456 = arith.mulf %mul3A_455, %tanh3A_453 : vector<64x512xf32>
    %add3A_457 = arith.constant 5.000000e-01 : f32
    %add3A_458 = vector.broadcast %add3A_457 : f32 to vector<64x512xf32>
    %add3A_459 = arith.addf %mul3A_456, %add3A_458 : vector<64x512xf32>
    %slice3A_460 = vector.extract_strided_slice %add3A_437 {offsets = [0, 1024], sizes = [64, 512], strides = [1, 1]} : vector<64x2048xf32> to vector<64x512xf32>
    %tanh3A_461 = math.tanh %slice3A_460 : vector<64x512xf32>
    %slice3A_462 = vector.extract_strided_slice %add3A_437 {offsets = [0, 1536], sizes = [64, 512], strides = [1, 1]} : vector<64x2048xf32> to vector<64x512xf32>
    %mul3A_463 = arith.constant 5.000000e-01 : f32
    %mul3A_464 = vector.broadcast %mul3A_463 : f32 to vector<64x512xf32>
    %mul3A_465 = arith.mulf %mul3A_464, %slice3A_462 : vector<64x512xf32>
    %tanh3A_466 = math.tanh %mul3A_465 : vector<64x512xf32>
    %mul3A_467 = arith.constant 5.000000e-01 : f32
    %mul3A_468 = vector.broadcast %mul3A_467 : f32 to vector<64x512xf32>
    %mul3A_469 = arith.mulf %mul3A_468, %tanh3A_466 : vector<64x512xf32>
    %add3A_470 = arith.constant 5.000000e-01 : f32
    %add3A_471 = vector.broadcast %add3A_470 : f32 to vector<64x512xf32>
    %add3A_472 = arith.addf %mul3A_469, %add3A_471 : vector<64x512xf32>
    %mul3A_473 = arith.mulf %add3A_459, %add3A_423 : vector<64x512xf32>
    %mul3A_474 = arith.mulf %add3A_448, %tanh3A_461 : vector<64x512xf32>
    %add3A_475 = arith.addf %mul3A_473, %mul3A_474 : vector<64x512xf32>
    %tanh3A_476 = math.tanh %add3A_475 : vector<64x512xf32>
    %mul3A_477 = arith.mulf %add3A_472, %tanh3A_476 : vector<64x512xf32>
    %convert_element_type3A_478 = arith.truncf %mul3A_477 : vector<64x512xf32> to vector<64x512xbf16>
    %swap3A_479 = arith.constant 512 : index
    %swap3A_480 = arith.constant 0 : index
    %swap3A_481 = vector.load %arg10[%swap3A_479, %swap3A_480] : memref<1024x512xbf16, #tpu.memory_space<vmem>>, vector<64x512xbf16>
    tpu.vector_store %arg10[%swap3A_479, %swap3A_480], %convert_element_type3A_478 {strides = array<i32>} : memref<1024x512xbf16, #tpu.memory_space<vmem>>, vector<64x512xbf16>,
    %slice3A_482 = vector.extract_strided_slice %add3A_11 {offsets = [576, 0], sizes = [64, 2048], strides = [1, 1]} : vector<1024x2048xf32> to vector<64x2048xf32>
    %convert_element_type3A_483 = arith.truncf %mul3A_477 : vector<64x512xf32> to vector<64x512xbf16>
    %get3A_484 = arith.constant 0 : index
    %get3A_485 = arith.constant 0 : index
    %get3A_486 = vector.load %arg3[%get3A_484, %get3A_485] : memref<512x2048xbf16, #tpu.memory_space<vmem>>, vector<512x2048xbf16>
    %dot_general3A_487 = arith.constant dense<0.000000e+00> : vector<64x2048xf32>
    %dot_general3A_488 = tpu.matmul %convert_element_type3A_483, %get3A_486, %dot_general3A_487 {dimension_numbers = #tpu.dot_dimension_numbers<[1], [0], [0], [1], [0, 0, 1, 1], [], []>, transpose_lhs_hint = false} : vector<64x512xbf16>, vector<512x2048xbf16>, vector<64x2048xf32> -> vector<64x2048xf32>
    %add3A_489 = arith.addf %slice3A_482, %dot_general3A_488 : vector<64x2048xf32>
    %slice3A_490 = vector.extract_strided_slice %add3A_489 {offsets = [0, 0], sizes = [64, 512], strides = [1, 1]} : vector<64x2048xf32> to vector<64x512xf32>
    %mul3A_491 = arith.constant 5.000000e-01 : f32
    %mul3A_492 = vector.broadcast %mul3A_491 : f32 to vector<64x512xf32>
    %mul3A_493 = arith.mulf %mul3A_492, %slice3A_490 : vector<64x512xf32>
    %tanh3A_494 = math.tanh %mul3A_493 : vector<64x512xf32>
    %mul3A_495 = arith.constant 5.000000e-01 : f32
    %mul3A_496 = vector.broadcast %mul3A_495 : f32 to vector<64x512xf32>
    %mul3A_497 = arith.mulf %mul3A_496, %tanh3A_494 : vector<64x512xf32>
    %add3A_498 = arith.constant 5.000000e-01 : f32
    %add3A_499 = vector.broadcast %add3A_498 : f32 to vector<64x512xf32>
    %add3A_500 = arith.addf %mul3A_497, %add3A_499 : vector<64x512xf32>
    %slice3A_501 = vector.extract_strided_slice %add3A_489 {offsets = [0, 512], sizes = [64, 512], strides = [1, 1]} : vector<64x2048xf32> to vector<64x512xf32>
    %mul3A_502 = arith.constant 5.000000e-01 : f32
    %mul3A_503 = vector.broadcast %mul3A_502 : f32 to vector<64x512xf32>
    %mul3A_504 = arith.mulf %mul3A_503, %slice3A_501 : vector<64x512xf32>
    %tanh3A_505 = math.tanh %mul3A_504 : vector<64x512xf32>
    %mul3A_506 = arith.constant 5.000000e-01 : f32
    %mul3A_507 = vector.broadcast %mul3A_506 : f32 to vector<64x512xf32>
    %mul3A_508 = arith.mulf %mul3A_507, %tanh3A_505 : vector<64x512xf32>
    %add3A_509 = arith.constant 5.000000e-01 : f32
    %add3A_510 = vector.broadcast %add3A_509 : f32 to vector<64x512xf32>
    %add3A_511 = arith.addf %mul3A_508, %add3A_510 : vector<64x512xf32>
    %slice3A_512 = vector.extract_strided_slice %add3A_489 {offsets = [0, 1024], sizes = [64, 512], strides = [1, 1]} : vector<64x2048xf32> to vector<64x512xf32>
    %tanh3A_513 = math.tanh %slice3A_512 : vector<64x512xf32>
    %slice3A_514 = vector.extract_strided_slice %add3A_489 {offsets = [0, 1536], sizes = [64, 512], strides = [1, 1]} : vector<64x2048xf32> to vector<64x512xf32>
    %mul3A_515 = arith.constant 5.000000e-01 : f32
    %mul3A_516 = vector.broadcast %mul3A_515 : f32 to vector<64x512xf32>
    %mul3A_517 = arith.mulf %mul3A_516, %slice3A_514 : vector<64x512xf32>
    %tanh3A_518 = math.tanh %mul3A_517 : vector<64x512xf32>
    %mul3A_519 = arith.constant 5.000000e-01 : f32
    %mul3A_520 = vector.broadcast %mul3A_519 : f32 to vector<64x512xf32>
    %mul3A_521 = arith.mulf %mul3A_520, %tanh3A_518 : vector<64x512xf32>
    %add3A_522 = arith.constant 5.000000e-01 : f32
    %add3A_523 = vector.broadcast %add3A_522 : f32 to vector<64x512xf32>
    %add3A_524 = arith.addf %mul3A_521, %add3A_523 : vector<64x512xf32>
    %mul3A_525 = arith.mulf %add3A_511, %add3A_475 : vector<64x512xf32>
    %mul3A_526 = arith.mulf %add3A_500, %tanh3A_513 : vector<64x512xf32>
    %add3A_527 = arith.addf %mul3A_525, %mul3A_526 : vector<64x512xf32>
    %tanh3A_528 = math.tanh %add3A_527 : vector<64x512xf32>
    %mul3A_529 = arith.mulf %add3A_524, %tanh3A_528 : vector<64x512xf32>
    %convert_element_type3A_530 = arith.truncf %mul3A_529 : vector<64x512xf32> to vector<64x512xbf16>
    %swap3A_531 = arith.constant 576 : index
    %swap3A_532 = arith.constant 0 : index
    %swap3A_533 = vector.load %arg10[%swap3A_531, %swap3A_532] : memref<1024x512xbf16, #tpu.memory_space<vmem>>, vector<64x512xbf16>
    tpu.vector_store %arg10[%swap3A_531, %swap3A_532], %convert_element_type3A_530 {strides = array<i32>} : memref<1024x512xbf16, #tpu.memory_space<vmem>>, vector<64x512xbf16>,
    %slice3A_534 = vector.extract_strided_slice %add3A_11 {offsets = [640, 0], sizes = [64, 2048], strides = [1, 1]} : vector<1024x2048xf32> to vector<64x2048xf32>
    %convert_element_type3A_535 = arith.truncf %mul3A_529 : vector<64x512xf32> to vector<64x512xbf16>
    %get3A_536 = arith.constant 0 : index
    %get3A_537 = arith.constant 0 : index
    %get3A_538 = vector.load %arg3[%get3A_536, %get3A_537] : memref<512x2048xbf16, #tpu.memory_space<vmem>>, vector<512x2048xbf16>
    %dot_general3A_539 = arith.constant dense<0.000000e+00> : vector<64x2048xf32>
    %dot_general3A_540 = tpu.matmul %convert_element_type3A_535, %get3A_538, %dot_general3A_539 {dimension_numbers = #tpu.dot_dimension_numbers<[1], [0], [0], [1], [0, 0, 1, 1], [], []>, transpose_lhs_hint = false} : vector<64x512xbf16>, vector<512x2048xbf16>, vector<64x2048xf32> -> vector<64x2048xf32>
    %add3A_541 = arith.addf %slice3A_534, %dot_general3A_540 : vector<64x2048xf32>
    %slice3A_542 = vector.extract_strided_slice %add3A_541 {offsets = [0, 0], sizes = [64, 512], strides = [1, 1]} : vector<64x2048xf32> to vector<64x512xf32>
    %mul3A_543 = arith.constant 5.000000e-01 : f32
    %mul3A_544 = vector.broadcast %mul3A_543 : f32 to vector<64x512xf32>
    %mul3A_545 = arith.mulf %mul3A_544, %slice3A_542 : vector<64x512xf32>
    %tanh3A_546 = math.tanh %mul3A_545 : vector<64x512xf32>
    %mul3A_547 = arith.constant 5.000000e-01 : f32
    %mul3A_548 = vector.broadcast %mul3A_547 : f32 to vector<64x512xf32>
    %mul3A_549 = arith.mulf %mul3A_548, %tanh3A_546 : vector<64x512xf32>
    %add3A_550 = arith.constant 5.000000e-01 : f32
    %add3A_551 = vector.broadcast %add3A_550 : f32 to vector<64x512xf32>
    %add3A_552 = arith.addf %mul3A_549, %add3A_551 : vector<64x512xf32>
    %slice3A_553 = vector.extract_strided_slice %add3A_541 {offsets = [0, 512], sizes = [64, 512], strides = [1, 1]} : vector<64x2048xf32> to vector<64x512xf32>
    %mul3A_554 = arith.constant 5.000000e-01 : f32
    %mul3A_555 = vector.broadcast %mul3A_554 : f32 to vector<64x512xf32>
    %mul3A_556 = arith.mulf %mul3A_555, %slice3A_553 : vector<64x512xf32>
    %tanh3A_557 = math.tanh %mul3A_556 : vector<64x512xf32>
    %mul3A_558 = arith.constant 5.000000e-01 : f32
    %mul3A_559 = vector.broadcast %mul3A_558 : f32 to vector<64x512xf32>
    %mul3A_560 = arith.mulf %mul3A_559, %tanh3A_557 : vector<64x512xf32>
    %add3A_561 = arith.constant 5.000000e-01 : f32
    %add3A_562 = vector.broadcast %add3A_561 : f32 to vector<64x512xf32>
    %add3A_563 = arith.addf %mul3A_560, %add3A_562 : vector<64x512xf32>
    %slice3A_564 = vector.extract_strided_slice %add3A_541 {offsets = [0, 1024], sizes = [64, 512], strides = [1, 1]} : vector<64x2048xf32> to vector<64x512xf32>
    %tanh3A_565 = math.tanh %slice3A_564 : vector<64x512xf32>
    %slice3A_566 = vector.extract_strided_slice %add3A_541 {offsets = [0, 1536], sizes = [64, 512], strides = [1, 1]} : vector<64x2048xf32> to vector<64x512xf32>
    %mul3A_567 = arith.constant 5.000000e-01 : f32
    %mul3A_568 = vector.broadcast %mul3A_567 : f32 to vector<64x512xf32>
    %mul3A_569 = arith.mulf %mul3A_568, %slice3A_566 : vector<64x512xf32>
    %tanh3A_570 = math.tanh %mul3A_569 : vector<64x512xf32>
    %mul3A_571 = arith.constant 5.000000e-01 : f32
    %mul3A_572 = vector.broadcast %mul3A_571 : f32 to vector<64x512xf32>
    %mul3A_573 = arith.mulf %mul3A_572, %tanh3A_570 : vector<64x512xf32>
    %add3A_574 = arith.constant 5.000000e-01 : f32
    %add3A_575 = vector.broadcast %add3A_574 : f32 to vector<64x512xf32>
    %add3A_576 = arith.addf %mul3A_573, %add3A_575 : vector<64x512xf32>
    %mul3A_577 = arith.mulf %add3A_563, %add3A_527 : vector<64x512xf32>
    %mul3A_578 = arith.mulf %add3A_552, %tanh3A_565 : vector<64x512xf32>
    %add3A_579 = arith.addf %mul3A_577, %mul3A_578 : vector<64x512xf32>
    %tanh3A_580 = math.tanh %add3A_579 : vector<64x512xf32>
    %mul3A_581 = arith.mulf %add3A_576, %tanh3A_580 : vector<64x512xf32>
    %convert_element_type3A_582 = arith.truncf %mul3A_581 : vector<64x512xf32> to vector<64x512xbf16>
    %swap3A_583 = arith.constant 640 : index
    %swap3A_584 = arith.constant 0 : index
    %swap3A_585 = vector.load %arg10[%swap3A_583, %swap3A_584] : memref<1024x512xbf16, #tpu.memory_space<vmem>>, vector<64x512xbf16>
    tpu.vector_store %arg10[%swap3A_583, %swap3A_584], %convert_element_type3A_582 {strides = array<i32>} : memref<1024x512xbf16, #tpu.memory_space<vmem>>, vector<64x512xbf16>,
    %slice3A_586 = vector.extract_strided_slice %add3A_11 {offsets = [704, 0], sizes = [64, 2048], strides = [1, 1]} : vector<1024x2048xf32> to vector<64x2048xf32>
    %convert_element_type3A_587 = arith.truncf %mul3A_581 : vector<64x512xf32> to vector<64x512xbf16>
    %get3A_588 = arith.constant 0 : index
    %get3A_589 = arith.constant 0 : index
    %get3A_590 = vector.load %arg3[%get3A_588, %get3A_589] : memref<512x2048xbf16, #tpu.memory_space<vmem>>, vector<512x2048xbf16>
    %dot_general3A_591 = arith.constant dense<0.000000e+00> : vector<64x2048xf32>
    %dot_general3A_592 = tpu.matmul %convert_element_type3A_587, %get3A_590, %dot_general3A_591 {dimension_numbers = #tpu.dot_dimension_numbers<[1], [0], [0], [1], [0, 0, 1, 1], [], []>, transpose_lhs_hint = false} : vector<64x512xbf16>, vector<512x2048xbf16>, vector<64x2048xf32> -> vector<64x2048xf32>
    %add3A_593 = arith.addf %slice3A_586, %dot_general3A_592 : vector<64x2048xf32>
    %slice3A_594 = vector.extract_strided_slice %add3A_593 {offsets = [0, 0], sizes = [64, 512], strides = [1, 1]} : vector<64x2048xf32> to vector<64x512xf32>
    %mul3A_595 = arith.constant 5.000000e-01 : f32
    %mul3A_596 = vector.broadcast %mul3A_595 : f32 to vector<64x512xf32>
    %mul3A_597 = arith.mulf %mul3A_596, %slice3A_594 : vector<64x512xf32>
    %tanh3A_598 = math.tanh %mul3A_597 : vector<64x512xf32>
    %mul3A_599 = arith.constant 5.000000e-01 : f32
    %mul3A_600 = vector.broadcast %mul3A_599 : f32 to vector<64x512xf32>
    %mul3A_601 = arith.mulf %mul3A_600, %tanh3A_598 : vector<64x512xf32>
    %add3A_602 = arith.constant 5.000000e-01 : f32
    %add3A_603 = vector.broadcast %add3A_602 : f32 to vector<64x512xf32>
    %add3A_604 = arith.addf %mul3A_601, %add3A_603 : vector<64x512xf32>
    %slice3A_605 = vector.extract_strided_slice %add3A_593 {offsets = [0, 512], sizes = [64, 512], strides = [1, 1]} : vector<64x2048xf32> to vector<64x512xf32>
    %mul3A_606 = arith.constant 5.000000e-01 : f32
    %mul3A_607 = vector.broadcast %mul3A_606 : f32 to vector<64x512xf32>
    %mul3A_608 = arith.mulf %mul3A_607, %slice3A_605 : vector<64x512xf32>
    %tanh3A_609 = math.tanh %mul3A_608 : vector<64x512xf32>
    %mul3A_610 = arith.constant 5.000000e-01 : f32
    %mul3A_611 = vector.broadcast %mul3A_610 : f32 to vector<64x512xf32>
    %mul3A_612 = arith.mulf %mul3A_611, %tanh3A_609 : vector<64x512xf32>
    %add3A_613 = arith.constant 5.000000e-01 : f32
    %add3A_614 = vector.broadcast %add3A_613 : f32 to vector<64x512xf32>
    %add3A_615 = arith.addf %mul3A_612, %add3A_614 : vector<64x512xf32>
    %slice3A_616 = vector.extract_strided_slice %add3A_593 {offsets = [0, 1024], sizes = [64, 512], strides = [1, 1]} : vector<64x2048xf32> to vector<64x512xf32>
    %tanh3A_617 = math.tanh %slice3A_616 : vector<64x512xf32>
    %slice3A_618 = vector.extract_strided_slice %add3A_593 {offsets = [0, 1536], sizes = [64, 512], strides = [1, 1]} : vector<64x2048xf32> to vector<64x512xf32>
    %mul3A_619 = arith.constant 5.000000e-01 : f32
    %mul3A_620 = vector.broadcast %mul3A_619 : f32 to vector<64x512xf32>
    %mul3A_621 = arith.mulf %mul3A_620, %slice3A_618 : vector<64x512xf32>
    %tanh3A_622 = math.tanh %mul3A_621 : vector<64x512xf32>
    %mul3A_623 = arith.constant 5.000000e-01 : f32
    %mul3A_624 = vector.broadcast %mul3A_623 : f32 to vector<64x512xf32>
    %mul3A_625 = arith.mulf %mul3A_624, %tanh3A_622 : vector<64x512xf32>
    %add3A_626 = arith.constant 5.000000e-01 : f32
    %add3A_627 = vector.broadcast %add3A_626 : f32 to vector<64x512xf32>
    %add3A_628 = arith.addf %mul3A_625, %add3A_627 : vector<64x512xf32>
    %mul3A_629 = arith.mulf %add3A_615, %add3A_579 : vector<64x512xf32>
    %mul3A_630 = arith.mulf %add3A_604, %tanh3A_617 : vector<64x512xf32>
    %add3A_631 = arith.addf %mul3A_629, %mul3A_630 : vector<64x512xf32>
    %tanh3A_632 = math.tanh %add3A_631 : vector<64x512xf32>
    %mul3A_633 = arith.mulf %add3A_628, %tanh3A_632 : vector<64x512xf32>
    %convert_element_type3A_634 = arith.truncf %mul3A_633 : vector<64x512xf32> to vector<64x512xbf16>
    %swap3A_635 = arith.constant 704 : index
    %swap3A_636 = arith.constant 0 : index
    %swap3A_637 = vector.load %arg10[%swap3A_635, %swap3A_636] : memref<1024x512xbf16, #tpu.memory_space<vmem>>, vector<64x512xbf16>
    tpu.vector_store %arg10[%swap3A_635, %swap3A_636], %convert_element_type3A_634 {strides = array<i32>} : memref<1024x512xbf16, #tpu.memory_space<vmem>>, vector<64x512xbf16>,
    %slice3A_638 = vector.extract_strided_slice %add3A_11 {offsets = [768, 0], sizes = [64, 2048], strides = [1, 1]} : vector<1024x2048xf32> to vector<64x2048xf32>
    %convert_element_type3A_639 = arith.truncf %mul3A_633 : vector<64x512xf32> to vector<64x512xbf16>
    %get3A_640 = arith.constant 0 : index
    %get3A_641 = arith.constant 0 : index
    %get3A_642 = vector.load %arg3[%get3A_640, %get3A_641] : memref<512x2048xbf16, #tpu.memory_space<vmem>>, vector<512x2048xbf16>
    %dot_general3A_643 = arith.constant dense<0.000000e+00> : vector<64x2048xf32>
    %dot_general3A_644 = tpu.matmul %convert_element_type3A_639, %get3A_642, %dot_general3A_643 {dimension_numbers = #tpu.dot_dimension_numbers<[1], [0], [0], [1], [0, 0, 1, 1], [], []>, transpose_lhs_hint = false} : vector<64x512xbf16>, vector<512x2048xbf16>, vector<64x2048xf32> -> vector<64x2048xf32>
    %add3A_645 = arith.addf %slice3A_638, %dot_general3A_644 : vector<64x2048xf32>
    %slice3A_646 = vector.extract_strided_slice %add3A_645 {offsets = [0, 0], sizes = [64, 512], strides = [1, 1]} : vector<64x2048xf32> to vector<64x512xf32>
    %mul3A_647 = arith.constant 5.000000e-01 : f32
    %mul3A_648 = vector.broadcast %mul3A_647 : f32 to vector<64x512xf32>
    %mul3A_649 = arith.mulf %mul3A_648, %slice3A_646 : vector<64x512xf32>
    %tanh3A_650 = math.tanh %mul3A_649 : vector<64x512xf32>
    %mul3A_651 = arith.constant 5.000000e-01 : f32
    %mul3A_652 = vector.broadcast %mul3A_651 : f32 to vector<64x512xf32>
    %mul3A_653 = arith.mulf %mul3A_652, %tanh3A_650 : vector<64x512xf32>
    %add3A_654 = arith.constant 5.000000e-01 : f32
    %add3A_655 = vector.broadcast %add3A_654 : f32 to vector<64x512xf32>
    %add3A_656 = arith.addf %mul3A_653, %add3A_655 : vector<64x512xf32>
    %slice3A_657 = vector.extract_strided_slice %add3A_645 {offsets = [0, 512], sizes = [64, 512], strides = [1, 1]} : vector<64x2048xf32> to vector<64x512xf32>
    %mul3A_658 = arith.constant 5.000000e-01 : f32
    %mul3A_659 = vector.broadcast %mul3A_658 : f32 to vector<64x512xf32>
    %mul3A_660 = arith.mulf %mul3A_659, %slice3A_657 : vector<64x512xf32>
    %tanh3A_661 = math.tanh %mul3A_660 : vector<64x512xf32>
    %mul3A_662 = arith.constant 5.000000e-01 : f32
    %mul3A_663 = vector.broadcast %mul3A_662 : f32 to vector<64x512xf32>
    %mul3A_664 = arith.mulf %mul3A_663, %tanh3A_661 : vector<64x512xf32>
    %add3A_665 = arith.constant 5.000000e-01 : f32
    %add3A_666 = vector.broadcast %add3A_665 : f32 to vector<64x512xf32>
    %add3A_667 = arith.addf %mul3A_664, %add3A_666 : vector<64x512xf32>
    %slice3A_668 = vector.extract_strided_slice %add3A_645 {offsets = [0, 1024], sizes = [64, 512], strides = [1, 1]} : vector<64x2048xf32> to vector<64x512xf32>
    %tanh3A_669 = math.tanh %slice3A_668 : vector<64x512xf32>
    %slice3A_670 = vector.extract_strided_slice %add3A_645 {offsets = [0, 1536], sizes = [64, 512], strides = [1, 1]} : vector<64x2048xf32> to vector<64x512xf32>
    %mul3A_671 = arith.constant 5.000000e-01 : f32
    %mul3A_672 = vector.broadcast %mul3A_671 : f32 to vector<64x512xf32>
    %mul3A_673 = arith.mulf %mul3A_672, %slice3A_670 : vector<64x512xf32>
    %tanh3A_674 = math.tanh %mul3A_673 : vector<64x512xf32>
    %mul3A_675 = arith.constant 5.000000e-01 : f32
    %mul3A_676 = vector.broadcast %mul3A_675 : f32 to vector<64x512xf32>
    %mul3A_677 = arith.mulf %mul3A_676, %tanh3A_674 : vector<64x512xf32>
    %add3A_678 = arith.constant 5.000000e-01 : f32
    %add3A_679 = vector.broadcast %add3A_678 : f32 to vector<64x512xf32>
    %add3A_680 = arith.addf %mul3A_677, %add3A_679 : vector<64x512xf32>
    %mul3A_681 = arith.mulf %add3A_667, %add3A_631 : vector<64x512xf32>
    %mul3A_682 = arith.mulf %add3A_656, %tanh3A_669 : vector<64x512xf32>
    %add3A_683 = arith.addf %mul3A_681, %mul3A_682 : vector<64x512xf32>
    %tanh3A_684 = math.tanh %add3A_683 : vector<64x512xf32>
    %mul3A_685 = arith.mulf %add3A_680, %tanh3A_684 : vector<64x512xf32>
    %convert_element_type3A_686 = arith.truncf %mul3A_685 : vector<64x512xf32> to vector<64x512xbf16>
    %swap3A_687 = arith.constant 768 : index
    %swap3A_688 = arith.constant 0 : index
    %swap3A_689 = vector.load %arg10[%swap3A_687, %swap3A_688] : memref<1024x512xbf16, #tpu.memory_space<vmem>>, vector<64x512xbf16>
    tpu.vector_store %arg10[%swap3A_687, %swap3A_688], %convert_element_type3A_686 {strides = array<i32>} : memref<1024x512xbf16, #tpu.memory_space<vmem>>, vector<64x512xbf16>,
    %slice3A_690 = vector.extract_strided_slice %add3A_11 {offsets = [832, 0], sizes = [64, 2048], strides = [1, 1]} : vector<1024x2048xf32> to vector<64x2048xf32>
    %convert_element_type3A_691 = arith.truncf %mul3A_685 : vector<64x512xf32> to vector<64x512xbf16>
    %get3A_692 = arith.constant 0 : index
    %get3A_693 = arith.constant 0 : index
    %get3A_694 = vector.load %arg3[%get3A_692, %get3A_693] : memref<512x2048xbf16, #tpu.memory_space<vmem>>, vector<512x2048xbf16>
    %dot_general3A_695 = arith.constant dense<0.000000e+00> : vector<64x2048xf32>
    %dot_general3A_696 = tpu.matmul %convert_element_type3A_691, %get3A_694, %dot_general3A_695 {dimension_numbers = #tpu.dot_dimension_numbers<[1], [0], [0], [1], [0, 0, 1, 1], [], []>, transpose_lhs_hint = false} : vector<64x512xbf16>, vector<512x2048xbf16>, vector<64x2048xf32> -> vector<64x2048xf32>
    %add3A_697 = arith.addf %slice3A_690, %dot_general3A_696 : vector<64x2048xf32>
    %slice3A_698 = vector.extract_strided_slice %add3A_697 {offsets = [0, 0], sizes = [64, 512], strides = [1, 1]} : vector<64x2048xf32> to vector<64x512xf32>
    %mul3A_699 = arith.constant 5.000000e-01 : f32
    %mul3A_700 = vector.broadcast %mul3A_699 : f32 to vector<64x512xf32>
    %mul3A_701 = arith.mulf %mul3A_700, %slice3A_698 : vector<64x512xf32>
    %tanh3A_702 = math.tanh %mul3A_701 : vector<64x512xf32>
    %mul3A_703 = arith.constant 5.000000e-01 : f32
    %mul3A_704 = vector.broadcast %mul3A_703 : f32 to vector<64x512xf32>
    %mul3A_705 = arith.mulf %mul3A_704, %tanh3A_702 : vector<64x512xf32>
    %add3A_706 = arith.constant 5.000000e-01 : f32
    %add3A_707 = vector.broadcast %add3A_706 : f32 to vector<64x512xf32>
    %add3A_708 = arith.addf %mul3A_705, %add3A_707 : vector<64x512xf32>
    %slice3A_709 = vector.extract_strided_slice %add3A_697 {offsets = [0, 512], sizes = [64, 512], strides = [1, 1]} : vector<64x2048xf32> to vector<64x512xf32>
    %mul3A_710 = arith.constant 5.000000e-01 : f32
    %mul3A_711 = vector.broadcast %mul3A_710 : f32 to vector<64x512xf32>
    %mul3A_712 = arith.mulf %mul3A_711, %slice3A_709 : vector<64x512xf32>
    %tanh3A_713 = math.tanh %mul3A_712 : vector<64x512xf32>
    %mul3A_714 = arith.constant 5.000000e-01 : f32
    %mul3A_715 = vector.broadcast %mul3A_714 : f32 to vector<64x512xf32>
    %mul3A_716 = arith.mulf %mul3A_715, %tanh3A_713 : vector<64x512xf32>
    %add3A_717 = arith.constant 5.000000e-01 : f32
    %add3A_718 = vector.broadcast %add3A_717 : f32 to vector<64x512xf32>
    %add3A_719 = arith.addf %mul3A_716, %add3A_718 : vector<64x512xf32>
    %slice3A_720 = vector.extract_strided_slice %add3A_697 {offsets = [0, 1024], sizes = [64, 512], strides = [1, 1]} : vector<64x2048xf32> to vector<64x512xf32>
    %tanh3A_721 = math.tanh %slice3A_720 : vector<64x512xf32>
    %slice3A_722 = vector.extract_strided_slice %add3A_697 {offsets = [0, 1536], sizes = [64, 512], strides = [1, 1]} : vector<64x2048xf32> to vector<64x512xf32>
    %mul3A_723 = arith.constant 5.000000e-01 : f32
    %mul3A_724 = vector.broadcast %mul3A_723 : f32 to vector<64x512xf32>
    %mul3A_725 = arith.mulf %mul3A_724, %slice3A_722 : vector<64x512xf32>
    %tanh3A_726 = math.tanh %mul3A_725 : vector<64x512xf32>
    %mul3A_727 = arith.constant 5.000000e-01 : f32
    %mul3A_728 = vector.broadcast %mul3A_727 : f32 to vector<64x512xf32>
    %mul3A_729 = arith.mulf %mul3A_728, %tanh3A_726 : vector<64x512xf32>
    %add3A_730 = arith.constant 5.000000e-01 : f32
    %add3A_731 = vector.broadcast %add3A_730 : f32 to vector<64x512xf32>
    %add3A_732 = arith.addf %mul3A_729, %add3A_731 : vector<64x512xf32>
    %mul3A_733 = arith.mulf %add3A_719, %add3A_683 : vector<64x512xf32>
    %mul3A_734 = arith.mulf %add3A_708, %tanh3A_721 : vector<64x512xf32>
    %add3A_735 = arith.addf %mul3A_733, %mul3A_734 : vector<64x512xf32>
    %tanh3A_736 = math.tanh %add3A_735 : vector<64x512xf32>
    %mul3A_737 = arith.mulf %add3A_732, %tanh3A_736 : vector<64x512xf32>
    %convert_element_type3A_738 = arith.truncf %mul3A_737 : vector<64x512xf32> to vector<64x512xbf16>
    %swap3A_739 = arith.constant 832 : index
    %swap3A_740 = arith.constant 0 : index
    %swap3A_741 = vector.load %arg10[%swap3A_739, %swap3A_740] : memref<1024x512xbf16, #tpu.memory_space<vmem>>, vector<64x512xbf16>
    tpu.vector_store %arg10[%swap3A_739, %swap3A_740], %convert_element_type3A_738 {strides = array<i32>} : memref<1024x512xbf16, #tpu.memory_space<vmem>>, vector<64x512xbf16>,
    %slice3A_742 = vector.extract_strided_slice %add3A_11 {offsets = [896, 0], sizes = [64, 2048], strides = [1, 1]} : vector<1024x2048xf32> to vector<64x2048xf32>
    %convert_element_type3A_743 = arith.truncf %mul3A_737 : vector<64x512xf32> to vector<64x512xbf16>
    %get3A_744 = arith.constant 0 : index
    %get3A_745 = arith.constant 0 : index
    %get3A_746 = vector.load %arg3[%get3A_744, %get3A_745] : memref<512x2048xbf16, #tpu.memory_space<vmem>>, vector<512x2048xbf16>
    %dot_general3A_747 = arith.constant dense<0.000000e+00> : vector<64x2048xf32>
    %dot_general3A_748 = tpu.matmul %convert_element_type3A_743, %get3A_746, %dot_general3A_747 {dimension_numbers = #tpu.dot_dimension_numbers<[1], [0], [0], [1], [0, 0, 1, 1], [], []>, transpose_lhs_hint = false} : vector<64x512xbf16>, vector<512x2048xbf16>, vector<64x2048xf32> -> vector<64x2048xf32>
    %add3A_749 = arith.addf %slice3A_742, %dot_general3A_748 : vector<64x2048xf32>
    %slice3A_750 = vector.extract_strided_slice %add3A_749 {offsets = [0, 0], sizes = [64, 512], strides = [1, 1]} : vector<64x2048xf32> to vector<64x512xf32>
    %mul3A_751 = arith.constant 5.000000e-01 : f32
    %mul3A_752 = vector.broadcast %mul3A_751 : f32 to vector<64x512xf32>
    %mul3A_753 = arith.mulf %mul3A_752, %slice3A_750 : vector<64x512xf32>
    %tanh3A_754 = math.tanh %mul3A_753 : vector<64x512xf32>
    %mul3A_755 = arith.constant 5.000000e-01 : f32
    %mul3A_756 = vector.broadcast %mul3A_755 : f32 to vector<64x512xf32>
    %mul3A_757 = arith.mulf %mul3A_756, %tanh3A_754 : vector<64x512xf32>
    %add3A_758 = arith.constant 5.000000e-01 : f32
    %add3A_759 = vector.broadcast %add3A_758 : f32 to vector<64x512xf32>
    %add3A_760 = arith.addf %mul3A_757, %add3A_759 : vector<64x512xf32>
    %slice3A_761 = vector.extract_strided_slice %add3A_749 {offsets = [0, 512], sizes = [64, 512], strides = [1, 1]} : vector<64x2048xf32> to vector<64x512xf32>
    %mul3A_762 = arith.constant 5.000000e-01 : f32
    %mul3A_763 = vector.broadcast %mul3A_762 : f32 to vector<64x512xf32>
    %mul3A_764 = arith.mulf %mul3A_763, %slice3A_761 : vector<64x512xf32>
    %tanh3A_765 = math.tanh %mul3A_764 : vector<64x512xf32>
    %mul3A_766 = arith.constant 5.000000e-01 : f32
    %mul3A_767 = vector.broadcast %mul3A_766 : f32 to vector<64x512xf32>
    %mul3A_768 = arith.mulf %mul3A_767, %tanh3A_765 : vector<64x512xf32>
    %add3A_769 = arith.constant 5.000000e-01 : f32
    %add3A_770 = vector.broadcast %add3A_769 : f32 to vector<64x512xf32>
    %add3A_771 = arith.addf %mul3A_768, %add3A_770 : vector<64x512xf32>
    %slice3A_772 = vector.extract_strided_slice %add3A_749 {offsets = [0, 1024], sizes = [64, 512], strides = [1, 1]} : vector<64x2048xf32> to vector<64x512xf32>
    %tanh3A_773 = math.tanh %slice3A_772 : vector<64x512xf32>
    %slice3A_774 = vector.extract_strided_slice %add3A_749 {offsets = [0, 1536], sizes = [64, 512], strides = [1, 1]} : vector<64x2048xf32> to vector<64x512xf32>
    %mul3A_775 = arith.constant 5.000000e-01 : f32
    %mul3A_776 = vector.broadcast %mul3A_775 : f32 to vector<64x512xf32>
    %mul3A_777 = arith.mulf %mul3A_776, %slice3A_774 : vector<64x512xf32>
    %tanh3A_778 = math.tanh %mul3A_777 : vector<64x512xf32>
    %mul3A_779 = arith.constant 5.000000e-01 : f32
    %mul3A_780 = vector.broadcast %mul3A_779 : f32 to vector<64x512xf32>
    %mul3A_781 = arith.mulf %mul3A_780, %tanh3A_778 : vector<64x512xf32>
    %add3A_782 = arith.constant 5.000000e-01 : f32
    %add3A_783 = vector.broadcast %add3A_782 : f32 to vector<64x512xf32>
    %add3A_784 = arith.addf %mul3A_781, %add3A_783 : vector<64x512xf32>
    %mul3A_785 = arith.mulf %add3A_771, %add3A_735 : vector<64x512xf32>
    %mul3A_786 = arith.mulf %add3A_760, %tanh3A_773 : vector<64x512xf32>
    %add3A_787 = arith.addf %mul3A_785, %mul3A_786 : vector<64x512xf32>
    %tanh3A_788 = math.tanh %add3A_787 : vector<64x512xf32>
    %mul3A_789 = arith.mulf %add3A_784, %tanh3A_788 : vector<64x512xf32>
    %convert_element_type3A_790 = arith.truncf %mul3A_789 : vector<64x512xf32> to vector<64x512xbf16>
    %swap3A_791 = arith.constant 896 : index
    %swap3A_792 = arith.constant 0 : index
    %swap3A_793 = vector.load %arg10[%swap3A_791, %swap3A_792] : memref<1024x512xbf16, #tpu.memory_space<vmem>>, vector<64x512xbf16>
    tpu.vector_store %arg10[%swap3A_791, %swap3A_792], %convert_element_type3A_790 {strides = array<i32>} : memref<1024x512xbf16, #tpu.memory_space<vmem>>, vector<64x512xbf16>,
    %slice3A_794 = vector.extract_strided_slice %add3A_11 {offsets = [960, 0], sizes = [64, 2048], strides = [1, 1]} : vector<1024x2048xf32> to vector<64x2048xf32>
    %convert_element_type3A_795 = arith.truncf %mul3A_789 : vector<64x512xf32> to vector<64x512xbf16>
    %get3A_796 = arith.constant 0 : index
    %get3A_797 = arith.constant 0 : index
    %get3A_798 = vector.load %arg3[%get3A_796, %get3A_797] : memref<512x2048xbf16, #tpu.memory_space<vmem>>, vector<512x2048xbf16>
    %dot_general3A_799 = arith.constant dense<0.000000e+00> : vector<64x2048xf32>
    %dot_general3A_800 = tpu.matmul %convert_element_type3A_795, %get3A_798, %dot_general3A_799 {dimension_numbers = #tpu.dot_dimension_numbers<[1], [0], [0], [1], [0, 0, 1, 1], [], []>, transpose_lhs_hint = false} : vector<64x512xbf16>, vector<512x2048xbf16>, vector<64x2048xf32> -> vector<64x2048xf32>
    %add3A_801 = arith.addf %slice3A_794, %dot_general3A_800 : vector<64x2048xf32>
    %slice3A_802 = vector.extract_strided_slice %add3A_801 {offsets = [0, 0], sizes = [64, 512], strides = [1, 1]} : vector<64x2048xf32> to vector<64x512xf32>
    %mul3A_803 = arith.constant 5.000000e-01 : f32
    %mul3A_804 = vector.broadcast %mul3A_803 : f32 to vector<64x512xf32>
    %mul3A_805 = arith.mulf %mul3A_804, %slice3A_802 : vector<64x512xf32>
    %tanh3A_806 = math.tanh %mul3A_805 : vector<64x512xf32>
    %mul3A_807 = arith.constant 5.000000e-01 : f32
    %mul3A_808 = vector.broadcast %mul3A_807 : f32 to vector<64x512xf32>
    %mul3A_809 = arith.mulf %mul3A_808, %tanh3A_806 : vector<64x512xf32>
    %add3A_810 = arith.constant 5.000000e-01 : f32
    %add3A_811 = vector.broadcast %add3A_810 : f32 to vector<64x512xf32>
    %add3A_812 = arith.addf %mul3A_809, %add3A_811 : vector<64x512xf32>
    %slice3A_813 = vector.extract_strided_slice %add3A_801 {offsets = [0, 512], sizes = [64, 512], strides = [1, 1]} : vector<64x2048xf32> to vector<64x512xf32>
    %mul3A_814 = arith.constant 5.000000e-01 : f32
    %mul3A_815 = vector.broadcast %mul3A_814 : f32 to vector<64x512xf32>
    %mul3A_816 = arith.mulf %mul3A_815, %slice3A_813 : vector<64x512xf32>
    %tanh3A_817 = math.tanh %mul3A_816 : vector<64x512xf32>
    %mul3A_818 = arith.constant 5.000000e-01 : f32
    %mul3A_819 = vector.broadcast %mul3A_818 : f32 to vector<64x512xf32>
    %mul3A_820 = arith.mulf %mul3A_819, %tanh3A_817 : vector<64x512xf32>
    %add3A_821 = arith.constant 5.000000e-01 : f32
    %add3A_822 = vector.broadcast %add3A_821 : f32 to vector<64x512xf32>
    %add3A_823 = arith.addf %mul3A_820, %add3A_822 : vector<64x512xf32>
    %slice3A_824 = vector.extract_strided_slice %add3A_801 {offsets = [0, 1024], sizes = [64, 512], strides = [1, 1]} : vector<64x2048xf32> to vector<64x512xf32>
    %tanh3A_825 = math.tanh %slice3A_824 : vector<64x512xf32>
    %slice3A_826 = vector.extract_strided_slice %add3A_801 {offsets = [0, 1536], sizes = [64, 512], strides = [1, 1]} : vector<64x2048xf32> to vector<64x512xf32>
    %mul3A_827 = arith.constant 5.000000e-01 : f32
    %mul3A_828 = vector.broadcast %mul3A_827 : f32 to vector<64x512xf32>
    %mul3A_829 = arith.mulf %mul3A_828, %slice3A_826 : vector<64x512xf32>
    %tanh3A_830 = math.tanh %mul3A_829 : vector<64x512xf32>
    %mul3A_831 = arith.constant 5.000000e-01 : f32
    %mul3A_832 = vector.broadcast %mul3A_831 : f32 to vector<64x512xf32>
    %mul3A_833 = arith.mulf %mul3A_832, %tanh3A_830 : vector<64x512xf32>
    %add3A_834 = arith.constant 5.000000e-01 : f32
    %add3A_835 = vector.broadcast %add3A_834 : f32 to vector<64x512xf32>
    %add3A_836 = arith.addf %mul3A_833, %add3A_835 : vector<64x512xf32>
    %mul3A_837 = arith.mulf %add3A_823, %add3A_787 : vector<64x512xf32>
    %mul3A_838 = arith.mulf %add3A_812, %tanh3A_825 : vector<64x512xf32>
    %add3A_839 = arith.addf %mul3A_837, %mul3A_838 : vector<64x512xf32>
    %tanh3A_840 = math.tanh %add3A_839 : vector<64x512xf32>
    %mul3A_841 = arith.mulf %add3A_836, %tanh3A_840 : vector<64x512xf32>
    %convert_element_type3A_842 = arith.truncf %mul3A_841 : vector<64x512xf32> to vector<64x512xbf16>
    %swap3A_843 = arith.constant 960 : index
    %swap3A_844 = arith.constant 0 : index
    %swap3A_845 = vector.load %arg10[%swap3A_843, %swap3A_844] : memref<1024x512xbf16, #tpu.memory_space<vmem>>, vector<64x512xbf16>
    tpu.vector_store %arg10[%swap3A_843, %swap3A_844], %convert_element_type3A_842 {strides = array<i32>} : memref<1024x512xbf16, #tpu.memory_space<vmem>>, vector<64x512xbf16>,
    %swap3A_846 = arith.constant 0 : index
    %swap3A_847 = arith.constant 0 : index
    %swap3A_848 = vector.load %arg8[%swap3A_846, %swap3A_847] : memref<64x512xf32, #tpu.memory_space<vmem>>, vector<64x512xf32>
    tpu.vector_store %arg8[%swap3A_846, %swap3A_847], %mul3A_841 {strides = array<i32>} : memref<64x512xf32, #tpu.memory_space<vmem>>, vector<64x512xf32>,
    %swap3A_849 = arith.constant 0 : index
    %swap3A_850 = arith.constant 0 : index
    %swap3A_851 = vector.load %arg9[%swap3A_849, %swap3A_850] : memref<64x512xf32, #tpu.memory_space<vmem>>, vector<64x512xf32>
    tpu.vector_store %arg9[%swap3A_849, %swap3A_850], %add3A_839 {strides = array<i32>} : memref<64x512xf32, #tpu.memory_space<vmem>>, vector<64x512xf32>,
    %get3A_852 = arith.constant 0 : index
    %get3A_853 = arith.constant 0 : index
    %get3A_854 = vector.load %arg10[%get3A_852, %get3A_853] : memref<1024x512xbf16, #tpu.memory_space<vmem>>, vector<1024x512xbf16>
    %get3A_855 = arith.constant 0 : index
    %get3A_856 = arith.constant 0 : index
    %get3A_857 = vector.load %arg5[%get3A_855, %get3A_856] : memref<512x1000xbf16, #tpu.memory_space<vmem>>, vector<512x1000xbf16>
    %dot_general3A_858 = arith.constant dense<0.000000e+00> : vector<1024x1000xf32>
    %dot_general3A_859 = tpu.matmul %get3A_854, %get3A_857, %dot_general3A_858 {dimension_numbers = #tpu.dot_dimension_numbers<[1], [0], [0], [1], [0, 0, 1, 1], [], []>, transpose_lhs_hint = false} : vector<1024x512xbf16>, vector<512x1000xbf16>, vector<1024x1000xf32> -> vector<1024x1000xf32>
    %get3A_860 = arith.constant 0 : index
    %get3A_861 = arith.constant 0 : index
    %get3A_862 = vector.load %arg6[%get3A_860, %get3A_861] : memref<1x1000xf32, #tpu.memory_space<vmem>>, vector<1x1000xf32>
    %add3A_863 = vector.broadcast %get3A_862 : vector<1x1000xf32> to vector<1024x1000xf32>
    %add3A_864 = arith.addf %dot_general3A_859, %add3A_863 : vector<1024x1000xf32>
    %reshape3A = vector.shape_cast %add3A_864 : vector<1024x1000xf32> to vector<16x64x1000xf32>
    %swap3A_865 = arith.constant 0 : index
    %swap3A_866 = arith.constant 0 : index
    %swap3A_867 = arith.constant 0 : index
    %swap3A_868 = vector.load %arg7[%swap3A_865, %swap3A_866, %swap3A_867] : memref<16x64x1000xf32, #tpu.memory_space<vmem>>, vector<16x64x1000xf32>
    tpu.vector_store %arg7[%swap3A_865, %swap3A_866, %swap3A_867], %reshape3A {strides = array<i32>} : memref<16x64x1000xf32, #tpu.memory_space<vmem>>, vector<16x64x1000xf32>,
    return
  }
  func.func @transform_0(%arg0: i32) -> (i32, i32) {
    %c0_i32 = arith.constant 0 : i32
    %c0_i32_0 = arith.constant 0 : i32
    return %arg0, %c0_i32 : i32, i32
  }
  func.func @transform_1(%arg0: i32) -> (i32, i32) {
    %c0_i32 = arith.constant 0 : i32
    %c0_i32_0 = arith.constant 0 : i32
    %c0_i32_1 = arith.constant 0 : i32
    return %c0_i32, %c0_i32_0 : i32, i32
  }
  func.func @transform_2(%arg0: i32) -> (i32, i32) {
    %c0_i32 = arith.constant 0 : i32
    %c0_i32_0 = arith.constant 0 : i32
    %c0_i32_1 = arith.constant 0 : i32
    return %c0_i32, %c0_i32_0 : i32, i32
  }
  func.func @transform_3(%arg0: i32) -> (i32, i32) {
    %c0_i32 = arith.constant 0 : i32
    %c0_i32_0 = arith.constant 0 : i32
    %c0_i32_1 = arith.constant 0 : i32
    return %c0_i32, %c0_i32_0 : i32, i32
  }
  func.func @transform_4(%arg0: i32) -> (i32, i32) {
    %c0_i32 = arith.constant 0 : i32
    %c0_i32_0 = arith.constant 0 : i32
    %c0_i32_1 = arith.constant 0 : i32
    return %c0_i32, %c0_i32_0 : i32, i32
  }
  func.func @transform_5(%arg0: i32) -> (i32, i32) {
    %c0_i32 = arith.constant 0 : i32
    %c0_i32_0 = arith.constant 0 : i32
    %c0_i32_1 = arith.constant 0 : i32
    return %c0_i32, %c0_i32_0 : i32, i32
  }
  func.func @transform_6(%arg0: i32) -> (i32, i32, i32) {
    %c0_i32 = arith.constant 0 : i32
    %c0_i32_0 = arith.constant 0 : i32
    %c0_i32_1 = arith.constant 0 : i32
    return %arg0, %c0_i32, %c0_i32_0 : i32, i32, i32
  }
}

</mosaic_0001>

<sc_bundles>
// kernel: kernel.5.cloned.1.call-start
scs
__scs_entry_jumppad:
0x0: {  	(pc) =	sbr.rel $0x88, $3  }
0x1: {  	(tag) =	ssettag $0x0;
	lr =	simm.s32 $0x1  }
0x2: {  	[smem:$0x3F9A] =	sst lr;
	_ =	strace $0xD0000000  }
0x3: {  	_ = 	snop  }
0x4: {  	_ = 	snop  }
0x5: {  	_ = 	snop  }
0x6: {  	_ = 	snop  }
0x7: {  	_ = 	snop  }
__scs_overlays_trampoline_lowered:
0x8: {  	[smem:$0x3FA9] =	sst s0  }
0x9: {  	[smem:$0x3FAA] =	sst s1  }
0xa: {  	[smem:$0x3FAB] =	sst s2  }
0xb: {  	[smem:$0x3FAC] =	sst s3  }
0xc: {  	[smem:$0x3FAD] =	sst s4  }
0xd: {  	[smem:$0x3FAE] =	sst s5  }
0xe: {  	[smem:$0x3FAF] =	sst s6  }
0xf: {  	[smem:$0x3FB0] =	sst s7  }
0x10: {  	[smem:$0x3FB1] =	sst s8  }
0x11: {  	[smem:$0x3FB2] =	sst s9;
	s0 =	simm.s32 @!p0 $0x0  }
0x12: {  	s1 =	sld [smem:$0x3F98];
	s0 =	simm.s32 @p0 $0x1  }
0x13: {  	[smem:$0x3FB3] =	sst s0;
	s0 =	simm.s32 @!p1 $0x0  }
0x14: {  	s2 =	sld [smem:$0x3F97];
	s0 =	simm.s32 @p1 $0x1  }
0x15: {  	[smem:$0x3FB4] =	sst s0;
	s0 =	simm.s32 @!p2 $0x0  }
0x16: {  	s3 =	sld [smem:$0x3FDB];
	s0 =	simm.s32 @p2 $0x1  }
0x17: {  	s4 =	simm.s32 $0x1BF5;
	[smem:$0x3FB6] =	sst s0  }
0x18: {  	s0 =	sld [smem:$0x3F99];
	_ =	swait.ge [sflag:s4], $0x0  }
0x19: {  	s7 =	sld [smem:$0x3F9A]  }
0x1a: {  	s8 =	sadd.s32 $0xFFFFE003, lr  }
0x1b: {  	s9 =	sadd.s32 $0xFFFFFEF7, lr;
	s5 =	simm.s32 $0xFFFFFFFF;
	p2 =	slt.u32 s8, $0xFFFFF086  }
0x1c: {  	p1 =	slt.u32 s9, $0xF7A;
	s5 =	simm.s32 @!p2 $0x0  }
0x1d: {  	s5 =	simm.s32 @p1 $0x1;
	p0 =	seq.s32 s7, s2  }
0x1e: {  	s7 =	smul.u32 @!p0 $0xF7A, s2;
	p2 =	seq.s32 @!p0 s5, $0x0  }
0x1f: {  	s9 =	smul.u32 $0xF7A, s1;
	s8 =	simm.s32 @!p0 $0x1BF5;
	p2 =	por !p2, p0  }
0x20: {  	[sflag:s8] =	ssyncset.s32 @!p0 $0xFFFFF086;
	s6 =	sadd.s32 @!p0 s3, s7;
	s7 =	simm.s32 @!p0 $0x108  }
0x21: {  	s3 =	sadd.s32 s3, s9;
	s6 =	sadd.s32 @!p0 $0x88, s6;
	s7 =	simm.s32 @p2 $0x1082  }
0x22: {  	[simem:s7], [sflag:s8] =	dma.local @!p0 [hbm:s6], $0xF7A  }
0x23: {  	s9 =	sor.u32 $0xD0000000, s2;
	s6 =	simm.s32 $0x108;
	_ =	swait.ge @!p0 [sflag:s8], $0x0  }
0x24: {  	s3 =	sadd.s32 $0x88, s3;
	s6 =	simm.s32 @!p1 $0x1082;
	[sflag:s4] =	ssyncset.s32 $0xFFFFF086  }
0x25: {  	[simem:s6], [sflag:s4] =	dma.local [hbm:s3], $0xF7A  }
0x26: {  	[smem:$0x3F9A] =	sst s1;
	(tag) =	ssettag s2;
	_ =	strace s9  }
0x27: {  	s1 =	sld [smem:$0x3FAA]  }
0x28: {  	s2 =	sld [smem:$0x3FAB]  }
0x29: {  	s4 =	sld [smem:$0x3FAD]  }
0x2a: {  	p0 =	seq.s32 s5, $0x0;
	s5 =	sld [smem:$0x3FAE]  }
0x2b: {  	s6 =	sld [smem:$0x3FAF]  }
0x2c: {  	s7 =	sld [smem:$0x3FB0]  }
0x2d: {  	s3 =	simm.s32 $0x108;
	s8 =	sld [smem:$0x3FB1]  }
0x2e: {  	s3 =	simm.s32 @!p0 $0x1082;
	s9 =	sld [smem:$0x3FB2]  }
0x2f: {  	lr =	sadd.s32 s0, s3;
	s0 =	sld [smem:$0x3FA9]  }
0x30: {  	s3 =	sld [smem:$0x3FAC]  }
0x31: {  	[smem:$0x3FB5] =	sst s10  }
0x32: {  	s10 =	sld [smem:$0x3FB3];
	_ =	sdelay $0x3  }
0x33: {  	p0 =	seq.s32 s10, $0x1;
	s10 =	sld [smem:$0x3FB5];
	_ =	sdelay $0x3  }
0x34: {  	[smem:$0x3FB5] =	sst s10  }
0x35: {  	s10 =	sld [smem:$0x3FB4];
	_ =	sdelay $0x3  }
0x36: {  	p1 =	seq.s32 s10, $0x1;
	s10 =	sld [smem:$0x3FB5];
	_ =	sdelay $0x3  }
0x37: {  	[smem:$0x3FB5] =	sst s10  }
0x38: {  	s10 =	sld [smem:$0x3FB6]  }
0x39: {  	_ = 	snop;
	(pc) =	sbr.ind lr, $3  }
0x3a: {  	_ = 	snop  }
0x3b: {  	_ = 	snop  }
0x3c: {  	p2 =	seq.s32 s10, $0x1;
	s10 =	sld [smem:$0x3FB5]  }
0x3d: {  	_ =	shalt  }
0x3e: {  	_ =	shalt  }
0x3f: {  	_ =	shalt  }
0x40: {  	_ =	shalt  }
0x41: {  	_ =	shalt  }
0x42: {  	_ =	shalt  }
0x43: {  	_ =	shalt  }
0x44: {  	_ =	shalt  }
0x45: {  	_ =	shalt  }
0x46: {  	_ =	shalt  }
0x47: {  	_ =	shalt  }
0x48: {  	_ =	shalt  }
0x49: {  	_ =	shalt  }
0x4a: {  	_ =	shalt  }
0x4b: {  	_ =	shalt  }
0x4c: {  	_ =	shalt  }
0x4d: {  	_ =	shalt  }
0x4e: {  	_ =	shalt  }
0x4f: {  	_ =	shalt  }
0x50: {  	_ =	shalt  }
0x51: {  	_ =	shalt  }
0x52: {  	_ =	shalt  }
0x53: {  	_ =	shalt  }
0x54: {  	_ =	shalt  }
0x55: {  	_ =	shalt  }
0x56: {  	_ =	shalt  }
0x57: {  	_ =	shalt  }
0x58: {  	_ =	shalt  }
0x59: {  	_ =	shalt  }
0x5a: {  	_ =	shalt  }
0x5b: {  	_ =	shalt  }
0x5c: {  	_ =	shalt  }
0x5d: {  	_ =	shalt  }
0x5e: {  	_ =	shalt  }
0x5f: {  	_ =	shalt  }
0x60: {  	_ =	shalt  }
0x61: {  	_ =	shalt  }
0x62: {  	_ =	shalt  }
0x63: {  	_ =	shalt  }
0x64: {  	_ =	shalt  }
0x65: {  	_ =	shalt  }
0x66: {  	_ =	shalt  }
0x67: {  	_ =	shalt  }
0x68: {  	_ =	shalt  }
0x69: {  	_ =	shalt  }
0x6a: {  	_ =	shalt  }
0x6b: {  	_ =	shalt  }
0x6c: {  	_ =	shalt  }
0x6d: {  	_ =	shalt  }
0x6e: {  	_ =	shalt  }
0x6f: {  	_ =	shalt  }
0x70: {  	_ =	shalt  }
0x71: {  	_ =	shalt  }
0x72: {  	_ =	shalt  }
0x73: {  	_ =	shalt  }
0x74: {  	_ =	shalt  }
0x75: {  	_ =	shalt  }
0x76: {  	_ =	shalt  }
0x77: {  	_ =	shalt  }
0x78: {  	_ =	shalt  }
0x79: {  	_ =	shalt  }
0x7a: {  	_ =	shalt  }
0x7b: {  	_ =	shalt  }
0x7c: {  	_ =	shalt  }
0x7d: {  	_ =	shalt  }
0x7e: {  	_ =	shalt  }
0x7f: {  	_ =	shalt  }
0x80: {  	_ =	shalt  }
0x81: {  	_ =	shalt  }
0x82: {  	_ =	shalt  }
0x83: {  	_ =	shalt  }
0x84: {  	_ =	shalt  }
0x85: {  	_ =	shalt  }
0x86: {  	_ =	shalt  }
0x87: {  	_ =	shalt  }
.Lfunc_end0:
.L_simem_size_0:
called_computation_lowered:
.L_overlay_start_0:
0x88: {  	s2 =	sld [smem:$0x3FD9]  }
0x89: {  	s3 =	sld [smem:$0x3FFE];
	_ =	sdelay $0x1  }
0x8a: {  	s1 =	srdreg.scid  }
0x8b: {  	s0 =	sand.u32 $0x1, s1  }
0x8c: {  	s17 =	sshll.u32 s0, $0xA;
	s2 =	sadd.s32 s3, s2  }
0x8d: {  	s2 =	sadd.s32 s2, s17  }
0x8e: {  	[smem:$0x3FC1] =	sst s2  }
0x8f: {  	_ = 	snop  }
0x90: {  	s2 =	sld [smem:$0x3FC8]  }
0x91: {  	s18 =	sld [smem:$0x3FD0];
	(tm) =	ssettm $0x1  }
0x92: {  	s4 =	sld [smem:$0x3FFB];
	_ =	sdelay $0x3  }
0x93: {  	_ =	strace s4  }
0x94: {  	s4 =	sld [smem:$0x3FFC];
	_ =	sdelay $0x3  }
0x95: {  	_ =	strace s4  }
0x96: {  	s4 =	sld [smem:$0x3FFD];
	_ =	sdelay $0x3  }
0x97: {  	_ =	strace s4  }
0x98: {  	_ =	strace $0x8FFFFFFF  }
0x99: {  	s19 =	sld [smem:$0x3FDB];
	_ =	sdelay $0x1  }
0x9a: {  	s5 =	simm.s32 $_scs_section_size  }
0x9b: {  	s6 =	simm.s32 $_size__tile_overlayer_lowered;
	s7 =	simm.s32 $_tile_overlayer_lowered  }
0x9c: {  	s22 =	simm.s32 $0x1BFF;
	s21 =	sshll.u32 s7, $0x1;
	s4 =	sadd.s32 s5, s19  }
0x9d: {  	s8 =	simm.s32 $0x0;
	s20 =	sshll.u32 s6, $0x1;
	s6 =	sadd.s32 s21, s4  }
0x9e: {  	[timem:s8], [sflag:s22] =	dma.local [hbm:s6], s20  }
0x9f: {  	_ =	swait.ge [sflag:s22], s20  }
0xa0: {  	s5 =	ssub.s32 $0x0, s20;
	[sflag:s22] =	ssyncset.done $0x0  }
0xa1: {  	[sflag:s22] =	ssyncadd.s32 s5;
	_ =	sdelay $0x1  }
0xa2: {  	s23 =	simm.s32 $0x1B8B  }
0xa3: {  	_ =	swait.ge [sflag:s23], $0x1  }
0xa4: {  	[sflag:s23] =	ssyncset.done $0x0  }
0xa5: {  	s25 =	simm.s32 $0x1B8E;
	s24 =	sld [smem:$0x3FFE];
	[sflag:s23] =	ssyncadd.s32 $0xFFFFFFFF  }
0xa6: {  	s26 =	simm.s32 $execute0_lowered;
	[smem:$0x3FD2] =	sst s25  }
0xa7: {  	s6 =	sshll.u32 s26, $0x1;
	_ =	strace $0x80000046;
	[dreg:$0x1] =	wrdreg $0xFFFFFFFF  }
0xa8: {  	s28 =	simm.s32 $_size_execute0_lowered;
	s4 =	sadd.s32 s4, s6;
	[dreg:$0x0] =	wrdreg $0x0  }
0xa9: {  	s6 =	sshll.u32 s28, $0x1;
	[dreg:$0x2] =	wrdreg s4  }
0xaa: {  	[dreg:$0x3] =	wrdreg s6  }
0xab: {  	[dreg:$0x4] =	wrdreg $0xC0  }
0xac: {  	_ =	task [dreg:s8], $0x5FFFF  }
0xad: {  	[dreg:$0x1] =	wrdreg $0xFFFFFFFF  }
0xae: {  	[dreg:$0x0] =	wrdreg $0x60  }
0xaf: {  	[dreg:$0x2] =	wrdreg s2  }
0xb0: {  	[dreg:$0x3] =	wrdreg s24  }
0xb1: {  	[dreg:$0x4] =	wrdreg s18  }
0xb2: {  	[dreg:$0x5] =	wrdreg $0x9  }
0xb3: {  	_ =	task.clear_ibuf [dreg:s8], $0x6FFFF;
	_ =	strace $0x90000046  }
0xb4: {  	s29 =	simm.s32 $0x9;
	_ =	strace $0x80000048  }
0xb5: {  	_ =	swait.ge [sflag:s29], $0x1  }
0xb6: {  	[sflag:s29] =	ssyncadd.s32 $0xFFFFFFFF  }
0xb7: {  	_ =	strace $0x90000048  }
0xb8: {  	_ =	sfence  }
0xb9: {  	s30 =	sld [smem:$0x0];
	_ =	sdelay $0x2  }
0xba: {  	s31 =	sshll.u32 s1, $0xD;
	s1 =	sshrl.u32 s1, $0x2  }
0xbb: {  	s3 =	sand.u32 $0x4000, s31;
	s1 =	sadd.s32 s1, s30  }
0xbc: {  	s0 =	sor.u32 s3, s0;
	s1 =	sshll.u32 s1, $0x11  }
0xbd: {  	s0 =	sor.u32 s1, s0  }
0xbe: {  	s0 =	sadd.s32 $0x8F2B, s0  }
0xbf: {  	[sflag:s0] =	ssyncadd.remote.s32 $0x1  }
0xc0: {  	_ =	sfence.sel $0xFFFF  }
0xc1: {  	[dreg:$0x0] =	wrdreg $0xFFFFFFFF;
	(pc) =	sbr.abs _section_cstart, $3  }
0xc2: {  	[dreg:$0x1] =	wrdreg $0xFFFFFFFF  }
0xc3: {  	_ =	task.clear_ibuf [dreg:s8], $0x2FFFF;
	_ =	strace $0x9FFFFFFF  }
0xc4: {  	(tm) =	ssettm $0x7FFFFFFF  }
0xc5: {  	_ =	shalt  }
tec
execute0_lowered:
.L_overlay_start_1:
0x0: {  	(tag) =	ssettag $0x1  }
0x1: {  	s2 =	srdreg.scid  }
0x2: {  	s1 =	rddreg [dreg:$0x0];
	s0 =	stileid.u32;
	s6 =	sand.u32 $0x1, s2  }
0x3: {  	s4 =	rddreg [dreg:$0x1];
	s30 =	sshll.u32 s0, $0x9;
	s3 =	sshll.u32 s6, $0x8  }
0x4: {  	s8 =	rddreg [dreg:$0x2];
	s9 =	sor.u32 s3, s30  }
0x5: {  	s2 =	rddreg [dreg:$0x3];
	s3 =	simm.s32 $0x0;
	s5 =	sshrl.u32 s9, $0x3  }
0x6: {  	s10 =	ssub.s32 $0x2, s6;
	[smem:$0x7FF] =	sst s3;
	s4 =	sadd.s32 s5, s4  }
0x7: {  	_ =	strace $0x80000047;
	s5 =	sadd.s32 $0x1000, s4;
	s4 =	simm.s32 $0x2  }
0x8: {  	[tilespmem:s3], [sflag:$0x2] =	stream.linear.gather [hbm4b:s5+s3], $0x100, $0x38;
	[tilespmem:$0x8100] =	vst v63  }
0x9: {  	s11 =	sshrl.u32 s10, $0x1;
	_ =	swait.ge [sflag:s4], $0x100  }
0xa: {  	s7 =	simm.s32 $0x1;
	s10 =	ssub.s32 s10, s11;
	[sflag:s4] =	ssyncset.done $0x0  }
0xb: {  	s6 =	simm.s32 $0x100;
	s31 =	smax.u32 s10, $0x1;
	[sflag:s4] =	ssyncadd.s32 $0xFFFFFF00  }
0xc: {  	[tilespmem:s6], [sflag:$0x1] =	stream.indirect.gather [hbm4b:s1+s6], $0x80, s3, s6, $0xb8;
	[tilespmem:$0x8100] =	vst v63  }
0xd: {  	p0 =	sne.s32 s31, $0x1;
	_ =	swait.ge [sflag:s7], $0x8000  }
.Ltmp0:
0xe: {  	s9 =	sshll.u32 s9, $0x4;
	[sflag:s7] =	ssyncset.done $0x0;
	(pc) =	sbr.rel @!p0 .LBB2_2-.Ltmp0, $4  }
0xf: {  	s8 =	sadd.s32 s8, s9;
	[sflag:s7] =	ssyncadd.s32 $0xFFFF8000  }
0x10: {  	[hbm4b:s8+s3] =	stream.linear.scatter [tilespmem:s6], [sflag:$0x2], $0x8000, $0x38;
	[tilespmem:$0x8100] =	vst v63  }
0x11: {  	_ =	swait.ge [sflag:s4], $0x8000  }
0x12: {  	s9 =	sadd.s32 $0xFFFFFFFF, s31;
	[sflag:s4] =	ssyncset.done $0x0  }
.LBB2_1:
0x13: {  	p0 =	sne.s32 s9, $0x1;
	s9 =	sadd.s32 $0xFFFFFFFF, s9;
	[sflag:s4] =	ssyncadd.s32 $0xFFFF8000  }
0x14: {  	[tilespmem:s3], [sflag:$0x2] =	stream.linear.gather [hbm4b:s5+s3], $0x100, $0x38;
	[tilespmem:$0x8100] =	vst v63  }
0x15: {  	_ =	swait.ge [sflag:s4], $0x100  }
0x16: {  	[sflag:s4] =	ssyncset.done $0x0  }
0x17: {  	[sflag:s4] =	ssyncadd.s32 $0xFFFFFF00  }
0x18: {  	[tilespmem:s6], [sflag:$0x1] =	stream.indirect.gather [hbm4b:s1+s6], $0x80, s3, s6, $0xb8;
	[tilespmem:$0x8100] =	vst v63  }
0x19: {  	_ =	swait.ge [sflag:s7], $0x8000  }
.Ltmp1:
0x1a: {  	[sflag:s7] =	ssyncset.done $0x0;
	(pc) =	sbr.rel @p0 .LBB2_1-.Ltmp1, $4  }
0x1b: {  	[sflag:s7] =	ssyncadd.s32 $0xFFFF8000  }
0x1c: {  	[hbm4b:s8+s3] =	stream.linear.scatter [tilespmem:s6], [sflag:$0x2], $0x8000, $0x38;
	[tilespmem:$0x8100] =	vst v63  }
0x1d: {  	_ =	swait.ge [sflag:s4], $0x8000  }
0x1e: {  	[sflag:s4] =	ssyncset.done $0x0  }
.LBB2_2:
0x1f: {  	[sflag:s4] =	ssyncadd.s32 $0xFFFF8000  }
0x20: {  	_ =	sfence.sel $0x180000  }
0x21: {  	[bflag:$0x0] =	sbarrier.arrive $0xFFFF  }
0x22: {  	p0 =	sne.s32 s0, $0x0;
	_ =	strace $0x90000047  }
0x23: {  	s0 =	sadd.s32 @!p0 $0x100000, s2;
	[bflag:$0x2] =	sbarrier.arrive $0xFFFF  }
0x24: {  	[sflag:s0] =	ssyncadd.tile.s32 @!p0 $0x1;
	_ =	shalt  }
.Lfunc_end2:
_tile_overlayer_lowered:
.L_overlay_start_2:
0x25: {  	(tag) =	ssettag $0x2  }
0x26: {  	s0 =	rddreg [dreg:$0x0];
	s2 =	stileid.u32  }
0x27: {  	s1 =	rddreg [dreg:$0x1];
	p0 =	sne.s32 s2, $0x0  }
0x28: {  	s3 =	rddreg [dreg:$0x2];
	[bflag:$0x3] =	sbarrier.arrive $0xFFFF;
	s2 =	simm.s32 @!p0 $0x1C02  }
0x29: {  	[timem:s3], [sflag:s2] =	dma.local @!p0 [hbm:s0], s1  }
0x2a: {  	s0 =	simm.s32 @!p0 $0x2  }
0x2b: {  	_ =	swait.ge @!p0 [sflag:s0], s1  }
0x2c: {  	s1 =	ssub.s32 @!p0 $0x0, s1;
	[sflag:s0] =	ssyncset.done @!p0 $0x0  }
0x2d: {  	[sflag:s0] =	ssyncadd.s32 @!p0 s1  }
0x2e: {  	[bflag:$0x3] =	sbarrier.arrive $0xFFFF  }
0x2f: {  	_ =	shalt  }

</sc_bundles>
